<compile_context>
chip_gen: v7x
topology: tpu7x:2x2x1
jax: 0.10.2.dev20260603
libtpu: 0.0.44.dev20260713+nightly
codegen_flags: <defaults>
</compile_context>

<pallas_src>
import functools

import jax
import jax.numpy as jnp
from jax import lax
from jax.experimental import pallas as pl
from jax.experimental.pallas import tpu as pltpu
from jax.experimental.pallas import tpu_sc as plsc

_N = 10000
_E = 320000
_D = 128
_DOUT = 64
_EPS = 1e-5

_NC = 2
_NS = 16
_NW = _NC * _NS
_EPW = _E // _NW
_EB = 80
_NB = _EPW // _EB
_ZR = 125
_RPT = _N // _NS
_VCH = 1000
_NVT = _N // _VCH

_mesh = plsc.VectorSubcoreMesh(core_axis_name="c", subcore_axis_name="s")



@functools.partial(
    pl.kernel,
    mesh=_mesh,
    out_type=jax.ShapeDtypeStruct((_NC * _N,), jnp.float32),
    scratch_types=[
        pltpu.VMEM((_EB,), jnp.int32),
        pltpu.VMEM((_EB,), jnp.float32),
        pltpu.VMEM((_VCH,), jnp.float32),
        pltpu.VMEM_SHARED((_N,), jnp.float32),
    ],
)
def _sc_deg(dst_h, z1_h, out_h, didx, ones, vstage, deg_sh):
    c = lax.axis_index("c")
    s = lax.axis_index("s")
    wid = c * _NS + s
    for k in range(_EB // 16):
        ones[pl.ds(16 * k, 16)] = jnp.full((16,), 1.0, jnp.float32)

    @pl.when(s < _NVT)
    def _zero():
        pltpu.sync_copy(z1_h, vstage)
        pltpu.sync_copy(vstage, deg_sh.at[pl.ds(s * _VCH, _VCH)])

    plsc.subcore_barrier()

    eoff = wid * _EPW

    def step(i, carry):
        pltpu.sync_copy(dst_h.at[pl.ds(eoff + i * _EB, _EB)], didx)
        pltpu.sync_copy(ones, deg_sh.at[didx], add=True)
        return carry

    lax.fori_loop(0, _NB, step, 0)
    plsc.subcore_barrier()

    @pl.when(s < _NVT)
    def _writeback():
        pltpu.sync_copy(deg_sh.at[pl.ds(s * _VCH, _VCH)], vstage)
        pltpu.sync_copy(vstage, out_h.at[pl.ds(c * _N + s * _VCH, _VCH)])


_SR = 200
_NSH = _VCH // _SR


def _make_sc_agg(with_s):
    out_type = [jax.ShapeDtypeStruct((_NC * _N, _D), jnp.float32)]
    scratch = [
        pltpu.VMEM((_EB,), jnp.int32),
        pltpu.VMEM((_EB,), jnp.int32),
        pltpu.VMEM((_EB, _D), jnp.float32),
        pltpu.VMEM((_SR, _D), jnp.float32),
        pltpu.VMEM_SHARED((_N, _D), jnp.float32),
        pltpu.SemaphoreType.DMA,
    ]
    if with_s:
        out_type.append(jax.ShapeDtypeStruct((_NC * _N,), jnp.float32))
        scratch += [
            pltpu.VMEM((_EB,), jnp.float32),
            pltpu.VMEM((_VCH,), jnp.float32),
            pltpu.VMEM_SHARED((_N,), jnp.float32),
        ]

    def body(src_h, dst_h, y_h, dinv_h, z2_h, z1_h, out_h, *rest):
        if with_s:
            sout_h, sidx, didx, rows, stage, acc_sh, sem, dvals, vstage, s_sh = rest
        else:
            sidx, didx, rows, stage, acc_sh, sem = rest
        c = lax.axis_index("c")
        s = lax.axis_index("s")
        wid = c * _NS + s

        pltpu.sync_copy(z2_h, stage)

        @pl.when(s < _NVT)
        def _zero():
            for j in range(_NSH):
                pltpu.sync_copy(
                    stage, acc_sh.at[pl.ds(s * _VCH + j * _SR, _SR)])
            if with_s:
                pltpu.sync_copy(z1_h, vstage)
                pltpu.sync_copy(vstage, s_sh.at[pl.ds(s * _VCH, _VCH)])
        plsc.subcore_barrier()

        eoff = wid * _EPW

        def step(i, carry):
            b = eoff + i * _EB
            pltpu.sync_copy(src_h.at[pl.ds(b, _EB)], sidx)
            pltpu.sync_copy(dst_h.at[pl.ds(b, _EB)], didx)
            pltpu.async_copy(y_h.at[sidx], rows, sem).wait()
            pltpu.sync_copy(rows, acc_sh.at[didx], add=True)
            if with_s:
                pltpu.async_copy(dinv_h.at[didx], dvals, sem).wait()
                pltpu.sync_copy(dvals, s_sh.at[sidx], add=True)
            return carry

        lax.fori_loop(0, _NB, step, 0)
        plsc.subcore_barrier()

        @pl.when(s < _NVT)
        def _writeback():
            for j in range(_NSH):
                r0 = s * _VCH + j * _SR
                pltpu.sync_copy(acc_sh.at[pl.ds(r0, _SR)], stage)
                pltpu.sync_copy(stage, out_h.at[pl.ds(c * _N + r0, _SR)])
            if with_s:
                pltpu.sync_copy(s_sh.at[pl.ds(s * _VCH, _VCH)], vstage)
                pltpu.sync_copy(vstage, sout_h.at[pl.ds(c * _N + s * _VCH, _VCH)])

    return pl.kernel(body, mesh=_mesh, out_type=out_type, scratch_types=scratch)


_sc_agg_s = _make_sc_agg(True)
_sc_agg = _make_sc_agg(False)



_RB = 1000
_NRB = _N // _RB


def _tc1_body(degp_ref, x_ref, w_ref, dinv_ref, y_ref):
    deg = degp_ref[0, :, 0] + degp_ref[1, :, 0] + 1.0
    dv = lax.rsqrt(deg)
    dinv_ref[...] = dv[:, None]
    y_ref[...] = dv[:, None] * jnp.dot(
        x_ref[...], w_ref[...], preferred_element_type=jnp.float32)


def _tc1(degp, x, W1):
    return pl.pallas_call(
        _tc1_body,
        grid=(_NRB,),
        in_specs=[
            pl.BlockSpec((2, _RB, 1), lambda i: (0, i, 0)),
            pl.BlockSpec((_RB, _D), lambda i: (i, 0)),
            pl.BlockSpec((_D, _D), lambda i: (0, 0)),
        ],
        out_specs=[
            pl.BlockSpec((_RB, 1), lambda i: (i, 0)),
            pl.BlockSpec((_RB, _D), lambda i: (i, 0)),
        ],
        out_shape=[
            jax.ShapeDtypeStruct((_N, 1), jnp.float32),
            jax.ShapeDtypeStruct((_N, _D), jnp.float32),
        ],
    )(degp[:, :, None], x, W1)


def _tc2_body(p_ref, y1_ref, dinv_ref, w2_ref, b1_ref, g1_ref, bt1_ref, y2_ref):
    dv = dinv_ref[...]
    agg = p_ref[0] + p_ref[1] + y1_ref[...]
    gscale = g1_ref[...] * (1.0 / jnp.sqrt(1.0 + _EPS))
    h1 = jnp.maximum((dv * agg + b1_ref[...]) * gscale + bt1_ref[...], 0.0)
    y2_ref[...] = dv * jnp.dot(
        h1, w2_ref[...], preferred_element_type=jnp.float32)


def _tc2(p, y1, dinv, W2, b1, g1, bt1):
    vec = pl.BlockSpec((1, _D), lambda i: (0, 0))
    return pl.pallas_call(
        _tc2_body,
        grid=(_NRB,),
        in_specs=[
            pl.BlockSpec((2, _RB, _D), lambda i: (0, i, 0)),
            pl.BlockSpec((_RB, _D), lambda i: (i, 0)),
            pl.BlockSpec((_RB, 1), lambda i: (i, 0)),
            pl.BlockSpec((_D, _D), lambda i: (0, 0)),
            vec, vec, vec,
        ],
        out_specs=pl.BlockSpec((_RB, _D), lambda i: (i, 0)),
        out_shape=jax.ShapeDtypeStruct((_N, _D), jnp.float32),
    )(p, y1, dinv, W2, b1[None, :], g1[None, :], bt1[None, :])


def _tc3_body(q_ref, y2_ref, dinv_ref, sp_ref, w3_ref, b2_ref, g2_ref,
              bt2_ref, b3_ref, out_ref, acc_ref):
    i = pl.program_id(0)
    dv = dinv_ref[...]
    agg = q_ref[0] + q_ref[1] + y2_ref[...]
    gscale = g2_ref[...] * (1.0 / jnp.sqrt(1.0 + _EPS))
    h2 = jnp.maximum((dv * agg + b2_ref[...]) * gscale + bt2_ref[...], 0.0)
    sv = sp_ref[0, :, 0] + sp_ref[1, :, 0]
    wv = dv[:, 0] * (dv[:, 0] + sv)
    part = jnp.dot(wv[None, :], h2, preferred_element_type=jnp.float32)

    @pl.when(i == 0)
    def _init():
        acc_ref[...] = jnp.zeros_like(acc_ref)

    acc_ref[...] += part

    @pl.when(i == pl.num_programs(0) - 1)
    def _fin():
        out_ref[...] = (
            jnp.dot(acc_ref[...], w3_ref[...],
                    preferred_element_type=jnp.float32) / _N + b3_ref[...])


def _tc3(q, y2, dinv, sp, W3, b2, g2, bt2, b3):
    vec = pl.BlockSpec((1, _D), lambda i: (0, 0))
    return pl.pallas_call(
        _tc3_body,
        grid=(_NRB,),
        in_specs=[
            pl.BlockSpec((2, _RB, _D), lambda i: (0, i, 0)),
            pl.BlockSpec((_RB, _D), lambda i: (i, 0)),
            pl.BlockSpec((_RB, 1), lambda i: (i, 0)),
            pl.BlockSpec((2, _RB, 1), lambda i: (0, i, 0)),
            pl.BlockSpec((_D, _DOUT), lambda i: (0, 0)),
            vec, vec, vec,
            pl.BlockSpec((1, _DOUT), lambda i: (0, 0)),
        ],
        out_specs=pl.BlockSpec((1, _DOUT), lambda i: (0, 0)),
        out_shape=jax.ShapeDtypeStruct((1, _DOUT), jnp.float32),
        scratch_shapes=[pltpu.VMEM((1, _D), jnp.float32)],
    )(q, y2, dinv, sp[:, :, None], W3, b2[None, :], g2[None, :], bt2[None, :],
      b3[None, :])



def kernel(x, edge_index, W1, b1, g1, bt1, W2, b2, g2, bt2, W3, b3):
    src = edge_index[0]
    dst = edge_index[1]
    z1 = jnp.zeros((_VCH,), jnp.float32)
    z2 = jnp.zeros((_SR, _D), jnp.float32)

    degp = _sc_deg(dst, z1).reshape(_NC, _N)
    dinv, y1 = _tc1(degp, x, W1)
    p, sp = _sc_agg_s(src, dst, y1, dinv.reshape(_N), z2, z1)
    p = p.reshape(_NC, _N, _D)
    sp = sp.reshape(_NC, _N)
    y2 = _tc2(p, y1, dinv, W2, b1, g1, bt1)
    (q,) = _sc_agg(src, dst, y2, dinv.reshape(_N), z2, z1)
    q = q.reshape(_NC, _N, _D)
    out = _tc3(q, y2, dinv, sp, W3, b2, g2, bt2, b3)
    return out

# --- scband reference (transcript-rebuilt; emitter-appended) ---
"""Pipeline reference for scband-gnnencoder-54614804136342 (READ-ONLY COPY).

The authoritative reference and input builder live on the scoring server;
editing this copy changes nothing except your own understanding.
"""

import jax, jax.numpy as jnp
import numpy as np

N = 10000
E = 320000
DIN = 128
DH = 128
DOUT = 64
EPS = 1e-5


def setup_inputs(seed: int = 0) -> dict:
    key = jax.random.key(seed)
    ks = jax.random.split(key, 12)
    x = jax.random.normal(ks[0], (N, DIN), dtype=jnp.float32)
    edge_index = jax.random.randint(ks[1], (2, E), 0, N, dtype=jnp.int32)
    W1 = jax.random.normal(ks[2], (DIN, DH), dtype=jnp.float32) / np.sqrt(DIN)
    b1 = jnp.zeros((DH,), dtype=jnp.float32)
    g1 = jnp.ones((DH,), dtype=jnp.float32)
    bt1 = jnp.zeros((DH,), dtype=jnp.float32)
    W2 = jax.random.normal(ks[3], (DH, DH), dtype=jnp.float32) / np.sqrt(DH)
    b2 = jnp.zeros((DH,), dtype=jnp.float32)
    g2 = jnp.ones((DH,), dtype=jnp.float32)
    bt2 = jnp.zeros((DH,), dtype=jnp.float32)
    W3 = jax.random.normal(ks[4], (DH, DOUT), dtype=jnp.float32) / np.sqrt(DH)
    b3 = jnp.zeros((DOUT,), dtype=jnp.float32)
    return {"x": x, "edge_index": edge_index, "W1": W1, "b1": b1, "g1": g1, "bt1": bt1,
            "W2": W2, "b2": b2, "g2": g2, "bt2": bt2, "W3": W3, "b3": b3}


def _gcn_conv(x, src, dst, W, b):
    # PyG GCNConv: add self-loops, symmetric normalization D^-1/2 (A+I) D^-1/2 X W + b
    loop = jnp.arange(N, dtype=src.dtype)
    s = jnp.concatenate([src, loop])
    d = jnp.concatenate([dst, loop])
    deg = jnp.zeros((N,), dtype=x.dtype).at[d].add(1.0)
    dinv = jnp.where(deg > 0, deg ** -0.5, 0.0)
    norm = dinv[s] * dinv[d]
    xw = x @ W
    msg = xw[s] * norm[:, None]
    out = jnp.zeros((N, W.shape[1]), dtype=x.dtype).at[d].add(msg)
    return out + b


def _bn_eval(x, g, b):
    # eval-mode BatchNorm1d with running_mean=0, running_var=1
    return x / jnp.sqrt(1.0 + EPS) * g + b


def reference(x, edge_index, W1, b1, g1, bt1, W2, b2, g2, bt2, W3, b3):
    src, dst = edge_index[0], edge_index[1]
    h = _gcn_conv(x, src, dst, W1, b1)
    h = _bn_eval(h, g1, bt1)
    h = jax.nn.relu(h)
    # dropout: identity in eval mode
    h = _gcn_conv(h, src, dst, W2, b2)
    h = _bn_eval(h, g2, bt2)
    h = jax.nn.relu(h)
    h = _gcn_conv(h, src, dst, W3, b3)
    # global_mean_pool with batch = zeros -> single graph
    out = jnp.mean(h, axis=0, keepdims=True)
    return out

if __name__ == "__main__":
    import jax
    _d = setup_inputs()
    print(jax.jit(kernel)(*tuple(_d.values())))

</pallas_src>

<mosaic_0001>
#map = affine_map<(d0, d1) -> (0)>
module attributes {stable_mosaic.version = 14 : i64} {
  func.func @_sc_deg(%arg0: i32, %arg1: i32, %arg2: memref<320000xi32, #tpu.memory_space<hbm>>, %arg3: memref<1000xf32, #tpu.memory_space<hbm>>, %arg4: memref<20000xf32, #tpu.memory_space<hbm>>, %arg5: memref<80xi32, #tpu.memory_space<vmem>>, %arg6: memref<80xf32, #tpu.memory_space<vmem>>, %arg7: memref<1000xf32, #tpu.memory_space<vmem>>, %arg8: memref<10000xf32, #tpu.memory_space<vmem_shared>>) attributes {dimension_semantics = [#tpu.dimension_semantics<core_parallel>, #tpu.dimension_semantics<subcore_parallel>], iteration_bounds = array<i64: 2, 16>, scalar_prefetch = 0 : i64, scratch_operands = 4 : i64, tpu.core_type = #tpu.core_type<sc_vector_subcore>, window_params = [{transform_indices = #map}, {transform_indices = #map}, {transform_indices = #map}]} {
    %mul3A = arith.constant 16 : i32
    %mul3A_0 = arith.muli %arg0, %mul3A : i32
    %add3A = arith.addi %mul3A_0, %arg1 : i32
    %broadcast_in_dim3A = arith.constant 1.000000e+00 : f32
    %broadcast_in_dim3A_1 = vector.broadcast %broadcast_in_dim3A : f32 to vector<16xf32>
    %swap3A = arith.constant 0 : index
    %swap3A_2 = tpu.vector_load %arg6[%swap3A] {strides = array<i32>} : memref<80xf32, #tpu.memory_space<vmem>>, vector<16xf32>,
    %swap3A_3 = vector.shape_cast %swap3A_2 : vector<16xf32> to vector<16xf32>
    %swap3A_4 = vector.shape_cast %broadcast_in_dim3A_1 : vector<16xf32> to vector<16xf32>
    tpu.vector_store %arg6[%swap3A], %swap3A_4 {strides = array<i32>} : memref<80xf32, #tpu.memory_space<vmem>>, vector<16xf32>,
    %broadcast_in_dim3A_5 = arith.constant 1.000000e+00 : f32
    %broadcast_in_dim3A_6 = vector.broadcast %broadcast_in_dim3A_5 : f32 to vector<16xf32>
    %swap3A_7 = arith.constant 16 : index
    %swap3A_8 = tpu.vector_load %arg6[%swap3A_7] {strides = array<i32>} : memref<80xf32, #tpu.memory_space<vmem>>, vector<16xf32>,
    %swap3A_9 = vector.shape_cast %swap3A_8 : vector<16xf32> to vector<16xf32>
    %swap3A_10 = vector.shape_cast %broadcast_in_dim3A_6 : vector<16xf32> to vector<16xf32>
    tpu.vector_store %arg6[%swap3A_7], %swap3A_10 {strides = array<i32>} : memref<80xf32, #tpu.memory_space<vmem>>, vector<16xf32>,
    %broadcast_in_dim3A_11 = arith.constant 1.000000e+00 : f32
    %broadcast_in_dim3A_12 = vector.broadcast %broadcast_in_dim3A_11 : f32 to vector<16xf32>
    %swap3A_13 = arith.constant 32 : index
    %swap3A_14 = tpu.vector_load %arg6[%swap3A_13] {strides = array<i32>} : memref<80xf32, #tpu.memory_space<vmem>>, vector<16xf32>,
    %swap3A_15 = vector.shape_cast %swap3A_14 : vector<16xf32> to vector<16xf32>
    %swap3A_16 = vector.shape_cast %broadcast_in_dim3A_12 : vector<16xf32> to vector<16xf32>
    tpu.vector_store %arg6[%swap3A_13], %swap3A_16 {strides = array<i32>} : memref<80xf32, #tpu.memory_space<vmem>>, vector<16xf32>,
    %broadcast_in_dim3A_17 = arith.constant 1.000000e+00 : f32
    %broadcast_in_dim3A_18 = vector.broadcast %broadcast_in_dim3A_17 : f32 to vector<16xf32>
    %swap3A_19 = arith.constant 48 : index
    %swap3A_20 = tpu.vector_load %arg6[%swap3A_19] {strides = array<i32>} : memref<80xf32, #tpu.memory_space<vmem>>, vector<16xf32>,
    %swap3A_21 = vector.shape_cast %swap3A_20 : vector<16xf32> to vector<16xf32>
    %swap3A_22 = vector.shape_cast %broadcast_in_dim3A_18 : vector<16xf32> to vector<16xf32>
    tpu.vector_store %arg6[%swap3A_19], %swap3A_22 {strides = array<i32>} : memref<80xf32, #tpu.memory_space<vmem>>, vector<16xf32>,
    %broadcast_in_dim3A_23 = arith.constant 1.000000e+00 : f32
    %broadcast_in_dim3A_24 = vector.broadcast %broadcast_in_dim3A_23 : f32 to vector<16xf32>
    %swap3A_25 = arith.constant 64 : index
    %swap3A_26 = tpu.vector_load %arg6[%swap3A_25] {strides = array<i32>} : memref<80xf32, #tpu.memory_space<vmem>>, vector<16xf32>,
    %swap3A_27 = vector.shape_cast %swap3A_26 : vector<16xf32> to vector<16xf32>
    %swap3A_28 = vector.shape_cast %broadcast_in_dim3A_24 : vector<16xf32> to vector<16xf32>
    tpu.vector_store %arg6[%swap3A_25], %swap3A_28 {strides = array<i32>} : memref<80xf32, #tpu.memory_space<vmem>>, vector<16xf32>,
    %lt3A = arith.constant 10 : i32
    %lt3A_29 = arith.cmpi slt, %arg1, %lt3A : i32
    %convert_element_type3A = arith.extui %lt3A_29 : i1 to i32
    %cond3A = arith.constant 0 : i32
    %cond3A_30 = arith.cmpi ne, %convert_element_type3A, %cond3A : i32
    scf.if %cond3A_30 {
      "tpu.region"() ({
        %run_scoped3A = tpu.sem_alloc : memref<!tpu.dma_semaphore, #tpu.memory_space<semaphore_mem>>
        tpu.enqueue_dma source(%arg3 : memref<1000xf32, #tpu.memory_space<hbm>>) target(%arg7 : memref<1000xf32, #tpu.memory_space<vmem>>) target_semaphore(%run_scoped3A : memref<!tpu.dma_semaphore, #tpu.memory_space<semaphore_mem>>)
        tpu.wait_dma2 semaphore(%run_scoped3A : memref<!tpu.dma_semaphore, #tpu.memory_space<semaphore_mem>>) src(%arg3 : memref<1000xf32, #tpu.memory_space<hbm>>) dst(%arg7 : memref<1000xf32, #tpu.memory_space<vmem>>)
        tpu.yield
      }) : () -> ()
      %mul3A_44 = arith.constant 1000 : i32
      %mul3A_45 = arith.muli %arg1, %mul3A_44 : i32
      "tpu.region"() ({
        %run_scoped3A = tpu.sem_alloc : memref<!tpu.dma_semaphore, #tpu.memory_space<semaphore_mem>>
        %dma_start3A = tpu.memref_slice %arg8[%mul3A_45] : memref<10000xf32, #tpu.memory_space<vmem_shared>> -> memref<1000xf32, #tpu.memory_space<vmem_shared>>
        %dma_start3A_46 = tpu.memref_slice %arg8[%mul3A_45] : memref<10000xf32, #tpu.memory_space<vmem_shared>> -> memref<1000xf32, #tpu.memory_space<vmem_shared>>
        tpu.enqueue_dma source(%arg7 : memref<1000xf32, #tpu.memory_space<vmem>>) target(%dma_start3A_46 : memref<1000xf32, #tpu.memory_space<vmem_shared>>) target_semaphore(%run_scoped3A : memref<!tpu.dma_semaphore, #tpu.memory_space<semaphore_mem>>)
        %dma_wait3A = tpu.memref_slice %arg8[%mul3A_45] : memref<10000xf32, #tpu.memory_space<vmem_shared>> -> memref<1000xf32, #tpu.memory_space<vmem_shared>>
        %dma_wait3A_47 = tpu.memref_slice %arg8[%mul3A_45] : memref<10000xf32, #tpu.memory_space<vmem_shared>> -> memref<1000xf32, #tpu.memory_space<vmem_shared>>
        tpu.wait_dma2 semaphore(%run_scoped3A : memref<!tpu.dma_semaphore, #tpu.memory_space<semaphore_mem>>) src(%arg7 : memref<1000xf32, #tpu.memory_space<vmem>>) dst(%dma_wait3A_47 : memref<1000xf32, #tpu.memory_space<vmem_shared>>)
        tpu.yield
      }) : () -> ()
    } else {
    }
    %barrier3A = arith.constant 0 : index
    tpu.barrier barrier_id(%barrier3A)
    %mul3A_31 = arith.constant 10000 : i32
    %mul3A_32 = arith.muli %add3A, %mul3A_31 : i32
    %scan3A = arith.constant 0 : i32
    %scan3A_33 = arith.constant 0 : i32
    %scan3A_34 = arith.constant 125 : i32
    %scan3A_35 = arith.addi %scan3A_33, %scan3A_34 : i32
    %scan3A_36 = arith.constant 1 : i32
    scf.for %scan3A_44 = %scan3A_33 to %scan3A_35 step %scan3A_36  : i32 {
      %mul3A_45 = arith.constant 80 : i32
      %mul3A_46 = arith.muli %scan3A_44, %mul3A_45 : i32
      %add3A_47 = arith.addi %mul3A_32, %mul3A_46 : i32
      "tpu.region"() ({
        %run_scoped3A = tpu.sem_alloc : memref<!tpu.dma_semaphore, #tpu.memory_space<semaphore_mem>>
        %dma_start3A = tpu.memref_slice %arg2[%add3A_47] : memref<320000xi32, #tpu.memory_space<hbm>> -> memref<80xi32, #tpu.memory_space<hbm>>
        %dma_start3A_48 = tpu.memref_slice %arg2[%add3A_47] : memref<320000xi32, #tpu.memory_space<hbm>> -> memref<80xi32, #tpu.memory_space<hbm>>
        tpu.enqueue_dma source(%dma_start3A_48 : memref<80xi32, #tpu.memory_space<hbm>>) target(%arg5 : memref<80xi32, #tpu.memory_space<vmem>>) target_semaphore(%run_scoped3A : memref<!tpu.dma_semaphore, #tpu.memory_space<semaphore_mem>>)
        %dma_wait3A = tpu.memref_slice %arg2[%add3A_47] : memref<320000xi32, #tpu.memory_space<hbm>> -> memref<80xi32, #tpu.memory_space<hbm>>
        %dma_wait3A_49 = tpu.memref_slice %arg2[%add3A_47] : memref<320000xi32, #tpu.memory_space<hbm>> -> memref<80xi32, #tpu.memory_space<hbm>>
        tpu.wait_dma2 semaphore(%run_scoped3A : memref<!tpu.dma_semaphore, #tpu.memory_space<semaphore_mem>>) src(%dma_wait3A_49 : memref<80xi32, #tpu.memory_space<hbm>>) dst(%arg5 : memref<80xi32, #tpu.memory_space<vmem>>)
        tpu.yield
      }) : () -> ()
      "tpu.region"() ({
        %run_scoped3A = tpu.sem_alloc : memref<!tpu.dma_semaphore, #tpu.memory_space<semaphore_mem>>
        %dma_start3A = arith.constant 0 : i32
        %dma_start3A_48 = tpu.memref_slice %arg8[%dma_start3A] : memref<10000xf32, #tpu.memory_space<vmem_shared>> -> memref<10000xf32, #tpu.memory_space<vmem_shared>>
        tpu.enqueue_indirect_dma source(%arg6 : memref<80xf32, #tpu.memory_space<vmem>>) target(%dma_start3A_48 : memref<10000xf32, #tpu.memory_space<vmem_shared>>) offsets(%arg5 : memref<80xi32, #tpu.memory_space<vmem>>) semaphore(%run_scoped3A : memref<!tpu.dma_semaphore, #tpu.memory_space<semaphore_mem>>) {add = true}
        %dma_wait3A = arith.constant 0 : i32
        %dma_wait3A_49 = tpu.memref_slice %arg8[%dma_wait3A] : memref<10000xf32, #tpu.memory_space<vmem_shared>> -> memref<10000xf32, #tpu.memory_space<vmem_shared>>
        tpu.wait_indirect_dma semaphore(%run_scoped3A : memref<!tpu.dma_semaphore, #tpu.memory_space<semaphore_mem>>) src(%arg6 : memref<80xf32, #tpu.memory_space<vmem>>) dst(%dma_wait3A_49 : memref<10000xf32, #tpu.memory_space<vmem_shared>>)
        tpu.yield
      }) : () -> ()
    }
    %scan3A_37 = arith.constant 125 : i32
    %barrier3A_38 = arith.constant 0 : index
    tpu.barrier barrier_id(%barrier3A_38)
    %lt3A_39 = arith.constant 10 : i32
    %lt3A_40 = arith.cmpi slt, %arg1, %lt3A_39 : i32
    %convert_element_type3A_41 = arith.extui %lt3A_40 : i1 to i32
    %cond3A_42 = arith.constant 0 : i32
    %cond3A_43 = arith.cmpi ne, %convert_element_type3A_41, %cond3A_42 : i32
    scf.if %cond3A_43 {
      %mul3A_44 = arith.constant 1000 : i32
      %mul3A_45 = arith.muli %arg1, %mul3A_44 : i32
      "tpu.region"() ({
        %run_scoped3A = tpu.sem_alloc : memref<!tpu.dma_semaphore, #tpu.memory_space<semaphore_mem>>
        %dma_start3A = tpu.memref_slice %arg8[%mul3A_45] : memref<10000xf32, #tpu.memory_space<vmem_shared>> -> memref<1000xf32, #tpu.memory_space<vmem_shared>>
        %dma_start3A_51 = tpu.memref_slice %arg8[%mul3A_45] : memref<10000xf32, #tpu.memory_space<vmem_shared>> -> memref<1000xf32, #tpu.memory_space<vmem_shared>>
        tpu.enqueue_dma source(%dma_start3A_51 : memref<1000xf32, #tpu.memory_space<vmem_shared>>) target(%arg7 : memref<1000xf32, #tpu.memory_space<vmem>>) target_semaphore(%run_scoped3A : memref<!tpu.dma_semaphore, #tpu.memory_space<semaphore_mem>>)
        %dma_wait3A = tpu.memref_slice %arg8[%mul3A_45] : memref<10000xf32, #tpu.memory_space<vmem_shared>> -> memref<1000xf32, #tpu.memory_space<vmem_shared>>
        %dma_wait3A_52 = tpu.memref_slice %arg8[%mul3A_45] : memref<10000xf32, #tpu.memory_space<vmem_shared>> -> memref<1000xf32, #tpu.memory_space<vmem_shared>>
        tpu.wait_dma2 semaphore(%run_scoped3A : memref<!tpu.dma_semaphore, #tpu.memory_space<semaphore_mem>>) src(%dma_wait3A_52 : memref<1000xf32, #tpu.memory_space<vmem_shared>>) dst(%arg7 : memref<1000xf32, #tpu.memory_space<vmem>>)
        tpu.yield
      }) : () -> ()
      %mul3A_46 = arith.constant 10000 : i32
      %mul3A_47 = arith.muli %arg0, %mul3A_46 : i32
      %mul3A_48 = arith.constant 1000 : i32
      %mul3A_49 = arith.muli %arg1, %mul3A_48 : i32
      %add3A_50 = arith.addi %mul3A_47, %mul3A_49 : i32
      "tpu.region"() ({
        %run_scoped3A = tpu.sem_alloc : memref<!tpu.dma_semaphore, #tpu.memory_space<semaphore_mem>>
        %dma_start3A = tpu.memref_slice %arg4[%add3A_50] : memref<20000xf32, #tpu.memory_space<hbm>> -> memref<1000xf32, #tpu.memory_space<hbm>>
        %dma_start3A_51 = tpu.memref_slice %arg4[%add3A_50] : memref<20000xf32, #tpu.memory_space<hbm>> -> memref<1000xf32, #tpu.memory_space<hbm>>
        tpu.enqueue_dma source(%arg7 : memref<1000xf32, #tpu.memory_space<vmem>>) target(%dma_start3A_51 : memref<1000xf32, #tpu.memory_space<hbm>>) target_semaphore(%run_scoped3A : memref<!tpu.dma_semaphore, #tpu.memory_space<semaphore_mem>>)
        %dma_wait3A = tpu.memref_slice %arg4[%add3A_50] : memref<20000xf32, #tpu.memory_space<hbm>> -> memref<1000xf32, #tpu.memory_space<hbm>>
        %dma_wait3A_52 = tpu.memref_slice %arg4[%add3A_50] : memref<20000xf32, #tpu.memory_space<hbm>> -> memref<1000xf32, #tpu.memory_space<hbm>>
        tpu.wait_dma2 semaphore(%run_scoped3A : memref<!tpu.dma_semaphore, #tpu.memory_space<semaphore_mem>>) src(%arg7 : memref<1000xf32, #tpu.memory_space<vmem>>) dst(%dma_wait3A_52 : memref<1000xf32, #tpu.memory_space<hbm>>)
        tpu.yield
      }) : () -> ()
    } else {
    }
    return
  }
}

#map = affine_map<(d0, d1) -> (0)>
#map1 = affine_map<(d0, d1) -> (0, 0)>
module attributes {stable_mosaic.version = 14 : i64} {
  func.func @body(%arg0: i32, %arg1: i32, %arg2: memref<320000xi32, #tpu.memory_space<hbm>>, %arg3: memref<320000xi32, #tpu.memory_space<hbm>>, %arg4: memref<10000x128xf32, #tpu.memory_space<hbm>>, %arg5: memref<10000xf32, #tpu.memory_space<hbm>>, %arg6: memref<200x128xf32, #tpu.memory_space<hbm>>, %arg7: memref<1000xf32, #tpu.memory_space<hbm>>, %arg8: memref<20000x128xf32, #tpu.memory_space<hbm>>, %arg9: memref<80xi32, #tpu.memory_space<vmem>>, %arg10: memref<80xi32, #tpu.memory_space<vmem>>, %arg11: memref<80x128xf32, #tpu.memory_space<vmem>>, %arg12: memref<200x128xf32, #tpu.memory_space<vmem>>, %arg13: memref<10000x128xf32, #tpu.memory_space<vmem_shared>>, %arg14: memref<!tpu.dma_semaphore, #tpu.memory_space<semaphore_mem>>) attributes {dimension_semantics = [#tpu.dimension_semantics<core_parallel>, #tpu.dimension_semantics<subcore_parallel>], iteration_bounds = array<i64: 2, 16>, scalar_prefetch = 0 : i64, scratch_operands = 6 : i64, tpu.core_type = #tpu.core_type<sc_vector_subcore>, window_params = [{transform_indices = #map}, {transform_indices = #map}, {transform_indices = #map1}, {transform_indices = #map}, {transform_indices = #map1}, {transform_indices = #map}, {transform_indices = #map1}]} {
    %mul3A = arith.constant 16 : i32
    %mul3A_0 = arith.muli %arg0, %mul3A : i32
    %add3A = arith.addi %mul3A_0, %arg1 : i32
    "tpu.region"() ({
      %run_scoped3A = tpu.sem_alloc : memref<!tpu.dma_semaphore, #tpu.memory_space<semaphore_mem>>
      tpu.enqueue_dma source(%arg6 : memref<200x128xf32, #tpu.memory_space<hbm>>) target(%arg12 : memref<200x128xf32, #tpu.memory_space<vmem>>) target_semaphore(%run_scoped3A : memref<!tpu.dma_semaphore, #tpu.memory_space<semaphore_mem>>)
      tpu.wait_dma2 semaphore(%run_scoped3A : memref<!tpu.dma_semaphore, #tpu.memory_space<semaphore_mem>>) src(%arg6 : memref<200x128xf32, #tpu.memory_space<hbm>>) dst(%arg12 : memref<200x128xf32, #tpu.memory_space<vmem>>)
      tpu.yield
    }) : () -> ()
    %lt3A = arith.constant 10 : i32
    %lt3A_1 = arith.cmpi slt, %arg1, %lt3A : i32
    %convert_element_type3A = arith.extui %lt3A_1 : i1 to i32
    %cond3A = arith.constant 0 : i32
    %cond3A_2 = arith.cmpi ne, %convert_element_type3A, %cond3A : i32
    scf.if %cond3A_2 {
      %mul3A_16 = arith.constant 1000 : i32
      %mul3A_17 = arith.muli %arg1, %mul3A_16 : i32
      %add3A_18 = arith.constant 0 : i32
      %add3A_19 = arith.addi %mul3A_17, %add3A_18 : i32
      "tpu.region"() ({
        %run_scoped3A = tpu.sem_alloc : memref<!tpu.dma_semaphore, #tpu.memory_space<semaphore_mem>>
        %dma_start3A = arith.constant 0 : i32
        %dma_start3A_36 = tpu.memref_slice %arg13[%add3A_19, %dma_start3A] : memref<10000x128xf32, #tpu.memory_space<vmem_shared>> -> memref<200x128xf32, #tpu.memory_space<vmem_shared>>
        %dma_start3A_37 = arith.constant 0 : i32
        %dma_start3A_38 = tpu.memref_slice %arg13[%add3A_19, %dma_start3A_37] : memref<10000x128xf32, #tpu.memory_space<vmem_shared>> -> memref<200x128xf32, #tpu.memory_space<vmem_shared>>
        tpu.enqueue_dma source(%arg12 : memref<200x128xf32, #tpu.memory_space<vmem>>) target(%dma_start3A_38 : memref<200x128xf32, #tpu.memory_space<vmem_shared>>) target_semaphore(%run_scoped3A : memref<!tpu.dma_semaphore, #tpu.memory_space<semaphore_mem>>)
        %dma_wait3A = arith.constant 0 : i32
        %dma_wait3A_39 = tpu.memref_slice %arg13[%add3A_19, %dma_wait3A] : memref<10000x128xf32, #tpu.memory_space<vmem_shared>> -> memref<200x128xf32, #tpu.memory_space<vmem_shared>>
        %dma_wait3A_40 = arith.constant 0 : i32
        %dma_wait3A_41 = tpu.memref_slice %arg13[%add3A_19, %dma_wait3A_40] : memref<10000x128xf32, #tpu.memory_space<vmem_shared>> -> memref<200x128xf32, #tpu.memory_space<vmem_shared>>
        tpu.wait_dma2 semaphore(%run_scoped3A : memref<!tpu.dma_semaphore, #tpu.memory_space<semaphore_mem>>) src(%arg12 : memref<200x128xf32, #tpu.memory_space<vmem>>) dst(%dma_wait3A_41 : memref<200x128xf32, #tpu.memory_space<vmem_shared>>)
        tpu.yield
      }) : () -> ()
      %mul3A_20 = arith.constant 1000 : i32
      %mul3A_21 = arith.muli %arg1, %mul3A_20 : i32
      %add3A_22 = arith.constant 200 : i32
      %add3A_23 = arith.addi %mul3A_21, %add3A_22 : i32
      "tpu.region"() ({
        %run_scoped3A = tpu.sem_alloc : memref<!tpu.dma_semaphore, #tpu.memory_space<semaphore_mem>>
        %dma_start3A = arith.constant 0 : i32
        %dma_start3A_36 = tpu.memref_slice %arg13[%add3A_23, %dma_start3A] : memref<10000x128xf32, #tpu.memory_space<vmem_shared>> -> memref<200x128xf32, #tpu.memory_space<vmem_shared>>
        %dma_start3A_37 = arith.constant 0 : i32
        %dma_start3A_38 = tpu.memref_slice %arg13[%add3A_23, %dma_start3A_37] : memref<10000x128xf32, #tpu.memory_space<vmem_shared>> -> memref<200x128xf32, #tpu.memory_space<vmem_shared>>
        tpu.enqueue_dma source(%arg12 : memref<200x128xf32, #tpu.memory_space<vmem>>) target(%dma_start3A_38 : memref<200x128xf32, #tpu.memory_space<vmem_shared>>) target_semaphore(%run_scoped3A : memref<!tpu.dma_semaphore, #tpu.memory_space<semaphore_mem>>)
        %dma_wait3A = arith.constant 0 : i32
        %dma_wait3A_39 = tpu.memref_slice %arg13[%add3A_23, %dma_wait3A] : memref<10000x128xf32, #tpu.memory_space<vmem_shared>> -> memref<200x128xf32, #tpu.memory_space<vmem_shared>>
        %dma_wait3A_40 = arith.constant 0 : i32
        %dma_wait3A_41 = tpu.memref_slice %arg13[%add3A_23, %dma_wait3A_40] : memref<10000x128xf32, #tpu.memory_space<vmem_shared>> -> memref<200x128xf32, #tpu.memory_space<vmem_shared>>
        tpu.wait_dma2 semaphore(%run_scoped3A : memref<!tpu.dma_semaphore, #tpu.memory_space<semaphore_mem>>) src(%arg12 : memref<200x128xf32, #tpu.memory_space<vmem>>) dst(%dma_wait3A_41 : memref<200x128xf32, #tpu.memory_space<vmem_shared>>)
        tpu.yield
      }) : () -> ()
      %mul3A_24 = arith.constant 1000 : i32
      %mul3A_25 = arith.muli %arg1, %mul3A_24 : i32
      %add3A_26 = arith.constant 400 : i32
      %add3A_27 = arith.addi %mul3A_25, %add3A_26 : i32
      "tpu.region"() ({
        %run_scoped3A = tpu.sem_alloc : memref<!tpu.dma_semaphore, #tpu.memory_space<semaphore_mem>>
        %dma_start3A = arith.constant 0 : i32
        %dma_start3A_36 = tpu.memref_slice %arg13[%add3A_27, %dma_start3A] : memref<10000x128xf32, #tpu.memory_space<vmem_shared>> -> memref<200x128xf32, #tpu.memory_space<vmem_shared>>
        %dma_start3A_37 = arith.constant 0 : i32
        %dma_start3A_38 = tpu.memref_slice %arg13[%add3A_27, %dma_start3A_37] : memref<10000x128xf32, #tpu.memory_space<vmem_shared>> -> memref<200x128xf32, #tpu.memory_space<vmem_shared>>
        tpu.enqueue_dma source(%arg12 : memref<200x128xf32, #tpu.memory_space<vmem>>) target(%dma_start3A_38 : memref<200x128xf32, #tpu.memory_space<vmem_shared>>) target_semaphore(%run_scoped3A : memref<!tpu.dma_semaphore, #tpu.memory_space<semaphore_mem>>)
        %dma_wait3A = arith.constant 0 : i32
        %dma_wait3A_39 = tpu.memref_slice %arg13[%add3A_27, %dma_wait3A] : memref<10000x128xf32, #tpu.memory_space<vmem_shared>> -> memref<200x128xf32, #tpu.memory_space<vmem_shared>>
        %dma_wait3A_40 = arith.constant 0 : i32
        %dma_wait3A_41 = tpu.memref_slice %arg13[%add3A_27, %dma_wait3A_40] : memref<10000x128xf32, #tpu.memory_space<vmem_shared>> -> memref<200x128xf32, #tpu.memory_space<vmem_shared>>
        tpu.wait_dma2 semaphore(%run_scoped3A : memref<!tpu.dma_semaphore, #tpu.memory_space<semaphore_mem>>) src(%arg12 : memref<200x128xf32, #tpu.memory_space<vmem>>) dst(%dma_wait3A_41 : memref<200x128xf32, #tpu.memory_space<vmem_shared>>)
        tpu.yield
      }) : () -> ()
      %mul3A_28 = arith.constant 1000 : i32
      %mul3A_29 = arith.muli %arg1, %mul3A_28 : i32
      %add3A_30 = arith.constant 600 : i32
      %add3A_31 = arith.addi %mul3A_29, %add3A_30 : i32
      "tpu.region"() ({
        %run_scoped3A = tpu.sem_alloc : memref<!tpu.dma_semaphore, #tpu.memory_space<semaphore_mem>>
        %dma_start3A = arith.constant 0 : i32
        %dma_start3A_36 = tpu.memref_slice %arg13[%add3A_31, %dma_start3A] : memref<10000x128xf32, #tpu.memory_space<vmem_shared>> -> memref<200x128xf32, #tpu.memory_space<vmem_shared>>
        %dma_start3A_37 = arith.constant 0 : i32
        %dma_start3A_38 = tpu.memref_slice %arg13[%add3A_31, %dma_start3A_37] : memref<10000x128xf32, #tpu.memory_space<vmem_shared>> -> memref<200x128xf32, #tpu.memory_space<vmem_shared>>
        tpu.enqueue_dma source(%arg12 : memref<200x128xf32, #tpu.memory_space<vmem>>) target(%dma_start3A_38 : memref<200x128xf32, #tpu.memory_space<vmem_shared>>) target_semaphore(%run_scoped3A : memref<!tpu.dma_semaphore, #tpu.memory_space<semaphore_mem>>)
        %dma_wait3A = arith.constant 0 : i32
        %dma_wait3A_39 = tpu.memref_slice %arg13[%add3A_31, %dma_wait3A] : memref<10000x128xf32, #tpu.memory_space<vmem_shared>> -> memref<200x128xf32, #tpu.memory_space<vmem_shared>>
        %dma_wait3A_40 = arith.constant 0 : i32
        %dma_wait3A_41 = tpu.memref_slice %arg13[%add3A_31, %dma_wait3A_40] : memref<10000x128xf32, #tpu.memory_space<vmem_shared>> -> memref<200x128xf32, #tpu.memory_space<vmem_shared>>
        tpu.wait_dma2 semaphore(%run_scoped3A : memref<!tpu.dma_semaphore, #tpu.memory_space<semaphore_mem>>) src(%arg12 : memref<200x128xf32, #tpu.memory_space<vmem>>) dst(%dma_wait3A_41 : memref<200x128xf32, #tpu.memory_space<vmem_shared>>)
        tpu.yield
      }) : () -> ()
      %mul3A_32 = arith.constant 1000 : i32
      %mul3A_33 = arith.muli %arg1, %mul3A_32 : i32
      %add3A_34 = arith.constant 800 : i32
      %add3A_35 = arith.addi %mul3A_33, %add3A_34 : i32
      "tpu.region"() ({
        %run_scoped3A = tpu.sem_alloc : memref<!tpu.dma_semaphore, #tpu.memory_space<semaphore_mem>>
        %dma_start3A = arith.constant 0 : i32
        %dma_start3A_36 = tpu.memref_slice %arg13[%add3A_35, %dma_start3A] : memref<10000x128xf32, #tpu.memory_space<vmem_shared>> -> memref<200x128xf32, #tpu.memory_space<vmem_shared>>
        %dma_start3A_37 = arith.constant 0 : i32
        %dma_start3A_38 = tpu.memref_slice %arg13[%add3A_35, %dma_start3A_37] : memref<10000x128xf32, #tpu.memory_space<vmem_shared>> -> memref<200x128xf32, #tpu.memory_space<vmem_shared>>
        tpu.enqueue_dma source(%arg12 : memref<200x128xf32, #tpu.memory_space<vmem>>) target(%dma_start3A_38 : memref<200x128xf32, #tpu.memory_space<vmem_shared>>) target_semaphore(%run_scoped3A : memref<!tpu.dma_semaphore, #tpu.memory_space<semaphore_mem>>)
        %dma_wait3A = arith.constant 0 : i32
        %dma_wait3A_39 = tpu.memref_slice %arg13[%add3A_35, %dma_wait3A] : memref<10000x128xf32, #tpu.memory_space<vmem_shared>> -> memref<200x128xf32, #tpu.memory_space<vmem_shared>>
        %dma_wait3A_40 = arith.constant 0 : i32
        %dma_wait3A_41 = tpu.memref_slice %arg13[%add3A_35, %dma_wait3A_40] : memref<10000x128xf32, #tpu.memory_space<vmem_shared>> -> memref<200x128xf32, #tpu.memory_space<vmem_shared>>
        tpu.wait_dma2 semaphore(%run_scoped3A : memref<!tpu.dma_semaphore, #tpu.memory_space<semaphore_mem>>) src(%arg12 : memref<200x128xf32, #tpu.memory_space<vmem>>) dst(%dma_wait3A_41 : memref<200x128xf32, #tpu.memory_space<vmem_shared>>)
        tpu.yield
      }) : () -> ()
    } else {
    }
    %barrier3A = arith.constant 0 : index
    tpu.barrier barrier_id(%barrier3A)
    %mul3A_3 = arith.constant 10000 : i32
    %mul3A_4 = arith.muli %add3A, %mul3A_3 : i32
    %scan3A = arith.constant 0 : i32
    %scan3A_5 = arith.constant 0 : i32
    %scan3A_6 = arith.constant 125 : i32
    %scan3A_7 = arith.addi %scan3A_5, %scan3A_6 : i32
    %scan3A_8 = arith.constant 1 : i32
    scf.for %scan3A_16 = %scan3A_5 to %scan3A_7 step %scan3A_8  : i32 {
      %mul3A_17 = arith.constant 80 : i32
      %mul3A_18 = arith.muli %scan3A_16, %mul3A_17 : i32
      %add3A_19 = arith.addi %mul3A_4, %mul3A_18 : i32
      "tpu.region"() ({
        %run_scoped3A = tpu.sem_alloc : memref<!tpu.dma_semaphore, #tpu.memory_space<semaphore_mem>>
        %dma_start3A_24 = tpu.memref_slice %arg2[%add3A_19] : memref<320000xi32, #tpu.memory_space<hbm>> -> memref<80xi32, #tpu.memory_space<hbm>>
        %dma_start3A_25 = tpu.memref_slice %arg2[%add3A_19] : memref<320000xi32, #tpu.memory_space<hbm>> -> memref<80xi32, #tpu.memory_space<hbm>>
        tpu.enqueue_dma source(%dma_start3A_25 : memref<80xi32, #tpu.memory_space<hbm>>) target(%arg9 : memref<80xi32, #tpu.memory_space<vmem>>) target_semaphore(%run_scoped3A : memref<!tpu.dma_semaphore, #tpu.memory_space<semaphore_mem>>)
        %dma_wait3A_26 = tpu.memref_slice %arg2[%add3A_19] : memref<320000xi32, #tpu.memory_space<hbm>> -> memref<80xi32, #tpu.memory_space<hbm>>
        %dma_wait3A_27 = tpu.memref_slice %arg2[%add3A_19] : memref<320000xi32, #tpu.memory_space<hbm>> -> memref<80xi32, #tpu.memory_space<hbm>>
        tpu.wait_dma2 semaphore(%run_scoped3A : memref<!tpu.dma_semaphore, #tpu.memory_space<semaphore_mem>>) src(%dma_wait3A_27 : memref<80xi32, #tpu.memory_space<hbm>>) dst(%arg9 : memref<80xi32, #tpu.memory_space<vmem>>)
        tpu.yield
      }) : () -> ()
      "tpu.region"() ({
        %run_scoped3A = tpu.sem_alloc : memref<!tpu.dma_semaphore, #tpu.memory_space<semaphore_mem>>
        %dma_start3A_24 = tpu.memref_slice %arg3[%add3A_19] : memref<320000xi32, #tpu.memory_space<hbm>> -> memref<80xi32, #tpu.memory_space<hbm>>
        %dma_start3A_25 = tpu.memref_slice %arg3[%add3A_19] : memref<320000xi32, #tpu.memory_space<hbm>> -> memref<80xi32, #tpu.memory_space<hbm>>
        tpu.enqueue_dma source(%dma_start3A_25 : memref<80xi32, #tpu.memory_space<hbm>>) target(%arg10 : memref<80xi32, #tpu.memory_space<vmem>>) target_semaphore(%run_scoped3A : memref<!tpu.dma_semaphore, #tpu.memory_space<semaphore_mem>>)
        %dma_wait3A_26 = tpu.memref_slice %arg3[%add3A_19] : memref<320000xi32, #tpu.memory_space<hbm>> -> memref<80xi32, #tpu.memory_space<hbm>>
        %dma_wait3A_27 = tpu.memref_slice %arg3[%add3A_19] : memref<320000xi32, #tpu.memory_space<hbm>> -> memref<80xi32, #tpu.memory_space<hbm>>
        tpu.wait_dma2 semaphore(%run_scoped3A : memref<!tpu.dma_semaphore, #tpu.memory_space<semaphore_mem>>) src(%dma_wait3A_27 : memref<80xi32, #tpu.memory_space<hbm>>) dst(%arg10 : memref<80xi32, #tpu.memory_space<vmem>>)
        tpu.yield
      }) : () -> ()
      %dma_start3A = arith.constant 0 : i32
      %dma_start3A_20 = arith.constant 0 : i32
      %dma_start3A_21 = tpu.memref_slice %arg4[%dma_start3A, %dma_start3A_20] : memref<10000x128xf32, #tpu.memory_space<hbm>> -> memref<10000x128xf32, #tpu.memory_space<hbm>>
      tpu.enqueue_indirect_dma source(%dma_start3A_21 : memref<10000x128xf32, #tpu.memory_space<hbm>>) target(%arg11 : memref<80x128xf32, #tpu.memory_space<vmem>>) offsets(%arg9 : memref<80xi32, #tpu.memory_space<vmem>>) semaphore(%arg14 : memref<!tpu.dma_semaphore, #tpu.memory_space<semaphore_mem>>)
      %dma_wait3A = arith.constant 0 : i32
      %dma_wait3A_22 = arith.constant 0 : i32
      %dma_wait3A_23 = tpu.memref_slice %arg4[%dma_wait3A, %dma_wait3A_22] : memref<10000x128xf32, #tpu.memory_space<hbm>> -> memref<10000x128xf32, #tpu.memory_space<hbm>>
      tpu.wait_indirect_dma semaphore(%arg14 : memref<!tpu.dma_semaphore, #tpu.memory_space<semaphore_mem>>) src(%dma_wait3A_23 : memref<10000x128xf32, #tpu.memory_space<hbm>>) dst(%arg11 : memref<80x128xf32, #tpu.memory_space<vmem>>)
      "tpu.region"() ({
        %run_scoped3A = tpu.sem_alloc : memref<!tpu.dma_semaphore, #tpu.memory_space<semaphore_mem>>
        %dma_start3A_24 = arith.constant 0 : i32
        %dma_start3A_25 = arith.constant 0 : i32
        %dma_start3A_26 = tpu.memref_slice %arg13[%dma_start3A_24, %dma_start3A_25] : memref<10000x128xf32, #tpu.memory_space<vmem_shared>> -> memref<10000x128xf32, #tpu.memory_space<vmem_shared>>
        tpu.enqueue_indirect_dma source(%arg11 : memref<80x128xf32, #tpu.memory_space<vmem>>) target(%dma_start3A_26 : memref<10000x128xf32, #tpu.memory_space<vmem_shared>>) offsets(%arg10 : memref<80xi32, #tpu.memory_space<vmem>>) semaphore(%run_scoped3A : memref<!tpu.dma_semaphore, #tpu.memory_space<semaphore_mem>>) {add = true}
        %dma_wait3A_27 = arith.constant 0 : i32
        %dma_wait3A_28 = arith.constant 0 : i32
        %dma_wait3A_29 = tpu.memref_slice %arg13[%dma_wait3A_27, %dma_wait3A_28] : memref<10000x128xf32, #tpu.memory_space<vmem_shared>> -> memref<10000x128xf32, #tpu.memory_space<vmem_shared>>
        tpu.wait_indirect_dma semaphore(%run_scoped3A : memref<!tpu.dma_semaphore, #tpu.memory_space<semaphore_mem>>) src(%arg11 : memref<80x128xf32, #tpu.memory_space<vmem>>) dst(%dma_wait3A_29 : memref<10000x128xf32, #tpu.memory_space<vmem_shared>>)
        tpu.yield
      }) : () -> ()
    }
    %scan3A_9 = arith.constant 125 : i32
    %barrier3A_10 = arith.constant 0 : index
    tpu.barrier barrier_id(%barrier3A_10)
    %lt3A_11 = arith.constant 10 : i32
    %lt3A_12 = arith.cmpi slt, %arg1, %lt3A_11 : i32
    %convert_element_type3A_13 = arith.extui %lt3A_12 : i1 to i32
    %cond3A_14 = arith.constant 0 : i32
    %cond3A_15 = arith.cmpi ne, %convert_element_type3A_13, %cond3A_14 : i32
    scf.if %cond3A_15 {
      %mul3A_16 = arith.constant 1000 : i32
      %mul3A_17 = arith.muli %arg1, %mul3A_16 : i32
      %add3A_18 = arith.constant 0 : i32
      %add3A_19 = arith.addi %mul3A_17, %add3A_18 : i32
      "tpu.region"() ({
        %run_scoped3A = tpu.sem_alloc : memref<!tpu.dma_semaphore, #tpu.memory_space<semaphore_mem>>
        %dma_start3A = arith.constant 0 : i32
        %dma_start3A_51 = tpu.memref_slice %arg13[%add3A_19, %dma_start3A] : memref<10000x128xf32, #tpu.memory_space<vmem_shared>> -> memref<200x128xf32, #tpu.memory_space<vmem_shared>>
        %dma_start3A_52 = arith.constant 0 : i32
        %dma_start3A_53 = tpu.memref_slice %arg13[%add3A_19, %dma_start3A_52] : memref<10000x128xf32, #tpu.memory_space<vmem_shared>> -> memref<200x128xf32, #tpu.memory_space<vmem_shared>>
        tpu.enqueue_dma source(%dma_start3A_53 : memref<200x128xf32, #tpu.memory_space<vmem_shared>>) target(%arg12 : memref<200x128xf32, #tpu.memory_space<vmem>>) target_semaphore(%run_scoped3A : memref<!tpu.dma_semaphore, #tpu.memory_space<semaphore_mem>>)
        %dma_wait3A = arith.constant 0 : i32
        %dma_wait3A_54 = tpu.memref_slice %arg13[%add3A_19, %dma_wait3A] : memref<10000x128xf32, #tpu.memory_space<vmem_shared>> -> memref<200x128xf32, #tpu.memory_space<vmem_shared>>
        %dma_wait3A_55 = arith.constant 0 : i32
        %dma_wait3A_56 = tpu.memref_slice %arg13[%add3A_19, %dma_wait3A_55] : memref<10000x128xf32, #tpu.memory_space<vmem_shared>> -> memref<200x128xf32, #tpu.memory_space<vmem_shared>>
        tpu.wait_dma2 semaphore(%run_scoped3A : memref<!tpu.dma_semaphore, #tpu.memory_space<semaphore_mem>>) src(%dma_wait3A_56 : memref<200x128xf32, #tpu.memory_space<vmem_shared>>) dst(%arg12 : memref<200x128xf32, #tpu.memory_space<vmem>>)
        tpu.yield
      }) : () -> ()
      %mul3A_20 = arith.constant 10000 : i32
      %mul3A_21 = arith.muli %arg0, %mul3A_20 : i32
      %add3A_22 = arith.addi %mul3A_21, %add3A_19 : i32
      "tpu.region"() ({
        %run_scoped3A = tpu.sem_alloc : memref<!tpu.dma_semaphore, #tpu.memory_space<semaphore_mem>>
        %dma_start3A = arith.constant 0 : i32
        %dma_start3A_51 = tpu.memref_slice %arg8[%add3A_22, %dma_start3A] : memref<20000x128xf32, #tpu.memory_space<hbm>> -> memref<200x128xf32, #tpu.memory_space<hbm>>
        %dma_start3A_52 = arith.constant 0 : i32
        %dma_start3A_53 = tpu.memref_slice %arg8[%add3A_22, %dma_start3A_52] : memref<20000x128xf32, #tpu.memory_space<hbm>> -> memref<200x128xf32, #tpu.memory_space<hbm>>
        tpu.enqueue_dma source(%arg12 : memref<200x128xf32, #tpu.memory_space<vmem>>) target(%dma_start3A_53 : memref<200x128xf32, #tpu.memory_space<hbm>>) target_semaphore(%run_scoped3A : memref<!tpu.dma_semaphore, #tpu.memory_space<semaphore_mem>>)
        %dma_wait3A = arith.constant 0 : i32
        %dma_wait3A_54 = tpu.memref_slice %arg8[%add3A_22, %dma_wait3A] : memref<20000x128xf32, #tpu.memory_space<hbm>> -> memref<200x128xf32, #tpu.memory_space<hbm>>
        %dma_wait3A_55 = arith.constant 0 : i32
        %dma_wait3A_56 = tpu.memref_slice %arg8[%add3A_22, %dma_wait3A_55] : memref<20000x128xf32, #tpu.memory_space<hbm>> -> memref<200x128xf32, #tpu.memory_space<hbm>>
        tpu.wait_dma2 semaphore(%run_scoped3A : memref<!tpu.dma_semaphore, #tpu.memory_space<semaphore_mem>>) src(%arg12 : memref<200x128xf32, #tpu.memory_space<vmem>>) dst(%dma_wait3A_56 : memref<200x128xf32, #tpu.memory_space<hbm>>)
        tpu.yield
      }) : () -> ()
      %mul3A_23 = arith.constant 1000 : i32
      %mul3A_24 = arith.muli %arg1, %mul3A_23 : i32
      %add3A_25 = arith.constant 200 : i32
      %add3A_26 = arith.addi %mul3A_24, %add3A_25 : i32
      "tpu.region"() ({
        %run_scoped3A = tpu.sem_alloc : memref<!tpu.dma_semaphore, #tpu.memory_space<semaphore_mem>>
        %dma_start3A = arith.constant 0 : i32
        %dma_start3A_51 = tpu.memref_slice %arg13[%add3A_26, %dma_start3A] : memref<10000x128xf32, #tpu.memory_space<vmem_shared>> -> memref<200x128xf32, #tpu.memory_space<vmem_shared>>
        %dma_start3A_52 = arith.constant 0 : i32
        %dma_start3A_53 = tpu.memref_slice %arg13[%add3A_26, %dma_start3A_52] : memref<10000x128xf32, #tpu.memory_space<vmem_shared>> -> memref<200x128xf32, #tpu.memory_space<vmem_shared>>
        tpu.enqueue_dma source(%dma_start3A_53 : memref<200x128xf32, #tpu.memory_space<vmem_shared>>) target(%arg12 : memref<200x128xf32, #tpu.memory_space<vmem>>) target_semaphore(%run_scoped3A : memref<!tpu.dma_semaphore, #tpu.memory_space<semaphore_mem>>)
        %dma_wait3A = arith.constant 0 : i32
        %dma_wait3A_54 = tpu.memref_slice %arg13[%add3A_26, %dma_wait3A] : memref<10000x128xf32, #tpu.memory_space<vmem_shared>> -> memref<200x128xf32, #tpu.memory_space<vmem_shared>>
        %dma_wait3A_55 = arith.constant 0 : i32
        %dma_wait3A_56 = tpu.memref_slice %arg13[%add3A_26, %dma_wait3A_55] : memref<10000x128xf32, #tpu.memory_space<vmem_shared>> -> memref<200x128xf32, #tpu.memory_space<vmem_shared>>
        tpu.wait_dma2 semaphore(%run_scoped3A : memref<!tpu.dma_semaphore, #tpu.memory_space<semaphore_mem>>) src(%dma_wait3A_56 : memref<200x128xf32, #tpu.memory_space<vmem_shared>>) dst(%arg12 : memref<200x128xf32, #tpu.memory_space<vmem>>)
        tpu.yield
      }) : () -> ()
      %mul3A_27 = arith.constant 10000 : i32
      %mul3A_28 = arith.muli %arg0, %mul3A_27 : i32
      %add3A_29 = arith.addi %mul3A_28, %add3A_26 : i32
      "tpu.region"() ({
        %run_scoped3A = tpu.sem_alloc : memref<!tpu.dma_semaphore, #tpu.memory_space<semaphore_mem>>
        %dma_start3A = arith.constant 0 : i32
        %dma_start3A_51 = tpu.memref_slice %arg8[%add3A_29, %dma_start3A] : memref<20000x128xf32, #tpu.memory_space<hbm>> -> memref<200x128xf32, #tpu.memory_space<hbm>>
        %dma_start3A_52 = arith.constant 0 : i32
        %dma_start3A_53 = tpu.memref_slice %arg8[%add3A_29, %dma_start3A_52] : memref<20000x128xf32, #tpu.memory_space<hbm>> -> memref<200x128xf32, #tpu.memory_space<hbm>>
        tpu.enqueue_dma source(%arg12 : memref<200x128xf32, #tpu.memory_space<vmem>>) target(%dma_start3A_53 : memref<200x128xf32, #tpu.memory_space<hbm>>) target_semaphore(%run_scoped3A : memref<!tpu.dma_semaphore, #tpu.memory_space<semaphore_mem>>)
        %dma_wait3A = arith.constant 0 : i32
        %dma_wait3A_54 = tpu.memref_slice %arg8[%add3A_29, %dma_wait3A] : memref<20000x128xf32, #tpu.memory_space<hbm>> -> memref<200x128xf32, #tpu.memory_space<hbm>>
        %dma_wait3A_55 = arith.constant 0 : i32
        %dma_wait3A_56 = tpu.memref_slice %arg8[%add3A_29, %dma_wait3A_55] : memref<20000x128xf32, #tpu.memory_space<hbm>> -> memref<200x128xf32, #tpu.memory_space<hbm>>
        tpu.wait_dma2 semaphore(%run_scoped3A : memref<!tpu.dma_semaphore, #tpu.memory_space<semaphore_mem>>) src(%arg12 : memref<200x128xf32, #tpu.memory_space<vmem>>) dst(%dma_wait3A_56 : memref<200x128xf32, #tpu.memory_space<hbm>>)
        tpu.yield
      }) : () -> ()
      %mul3A_30 = arith.constant 1000 : i32
      %mul3A_31 = arith.muli %arg1, %mul3A_30 : i32
      %add3A_32 = arith.constant 400 : i32
      %add3A_33 = arith.addi %mul3A_31, %add3A_32 : i32
      "tpu.region"() ({
        %run_scoped3A = tpu.sem_alloc : memref<!tpu.dma_semaphore, #tpu.memory_space<semaphore_mem>>
        %dma_start3A = arith.constant 0 : i32
        %dma_start3A_51 = tpu.memref_slice %arg13[%add3A_33, %dma_start3A] : memref<10000x128xf32, #tpu.memory_space<vmem_shared>> -> memref<200x128xf32, #tpu.memory_space<vmem_shared>>
        %dma_start3A_52 = arith.constant 0 : i32
        %dma_start3A_53 = tpu.memref_slice %arg13[%add3A_33, %dma_start3A_52] : memref<10000x128xf32, #tpu.memory_space<vmem_shared>> -> memref<200x128xf32, #tpu.memory_space<vmem_shared>>
        tpu.enqueue_dma source(%dma_start3A_53 : memref<200x128xf32, #tpu.memory_space<vmem_shared>>) target(%arg12 : memref<200x128xf32, #tpu.memory_space<vmem>>) target_semaphore(%run_scoped3A : memref<!tpu.dma_semaphore, #tpu.memory_space<semaphore_mem>>)
        %dma_wait3A = arith.constant 0 : i32
        %dma_wait3A_54 = tpu.memref_slice %arg13[%add3A_33, %dma_wait3A] : memref<10000x128xf32, #tpu.memory_space<vmem_shared>> -> memref<200x128xf32, #tpu.memory_space<vmem_shared>>
        %dma_wait3A_55 = arith.constant 0 : i32
        %dma_wait3A_56 = tpu.memref_slice %arg13[%add3A_33, %dma_wait3A_55] : memref<10000x128xf32, #tpu.memory_space<vmem_shared>> -> memref<200x128xf32, #tpu.memory_space<vmem_shared>>
        tpu.wait_dma2 semaphore(%run_scoped3A : memref<!tpu.dma_semaphore, #tpu.memory_space<semaphore_mem>>) src(%dma_wait3A_56 : memref<200x128xf32, #tpu.memory_space<vmem_shared>>) dst(%arg12 : memref<200x128xf32, #tpu.memory_space<vmem>>)
        tpu.yield
      }) : () -> ()
      %mul3A_34 = arith.constant 10000 : i32
      %mul3A_35 = arith.muli %arg0, %mul3A_34 : i32
      %add3A_36 = arith.addi %mul3A_35, %add3A_33 : i32
      "tpu.region"() ({
        %run_scoped3A = tpu.sem_alloc : memref<!tpu.dma_semaphore, #tpu.memory_space<semaphore_mem>>
        %dma_start3A = arith.constant 0 : i32
        %dma_start3A_51 = tpu.memref_slice %arg8[%add3A_36, %dma_start3A] : memref<20000x128xf32, #tpu.memory_space<hbm>> -> memref<200x128xf32, #tpu.memory_space<hbm>>
        %dma_start3A_52 = arith.constant 0 : i32
        %dma_start3A_53 = tpu.memref_slice %arg8[%add3A_36, %dma_start3A_52] : memref<20000x128xf32, #tpu.memory_space<hbm>> -> memref<200x128xf32, #tpu.memory_space<hbm>>
        tpu.enqueue_dma source(%arg12 : memref<200x128xf32, #tpu.memory_space<vmem>>) target(%dma_start3A_53 : memref<200x128xf32, #tpu.memory_space<hbm>>) target_semaphore(%run_scoped3A : memref<!tpu.dma_semaphore, #tpu.memory_space<semaphore_mem>>)
        %dma_wait3A = arith.constant 0 : i32
        %dma_wait3A_54 = tpu.memref_slice %arg8[%add3A_36, %dma_wait3A] : memref<20000x128xf32, #tpu.memory_space<hbm>> -> memref<200x128xf32, #tpu.memory_space<hbm>>
        %dma_wait3A_55 = arith.constant 0 : i32
        %dma_wait3A_56 = tpu.memref_slice %arg8[%add3A_36, %dma_wait3A_55] : memref<20000x128xf32, #tpu.memory_space<hbm>> -> memref<200x128xf32, #tpu.memory_space<hbm>>
        tpu.wait_dma2 semaphore(%run_scoped3A : memref<!tpu.dma_semaphore, #tpu.memory_space<semaphore_mem>>) src(%arg12 : memref<200x128xf32, #tpu.memory_space<vmem>>) dst(%dma_wait3A_56 : memref<200x128xf32, #tpu.memory_space<hbm>>)
        tpu.yield
      }) : () -> ()
      %mul3A_37 = arith.constant 1000 : i32
      %mul3A_38 = arith.muli %arg1, %mul3A_37 : i32
      %add3A_39 = arith.constant 600 : i32
      %add3A_40 = arith.addi %mul3A_38, %add3A_39 : i32
      "tpu.region"() ({
        %run_scoped3A = tpu.sem_alloc : memref<!tpu.dma_semaphore, #tpu.memory_space<semaphore_mem>>
        %dma_start3A = arith.constant 0 : i32
        %dma_start3A_51 = tpu.memref_slice %arg13[%add3A_40, %dma_start3A] : memref<10000x128xf32, #tpu.memory_space<vmem_shared>> -> memref<200x128xf32, #tpu.memory_space<vmem_shared>>
        %dma_start3A_52 = arith.constant 0 : i32
        %dma_start3A_53 = tpu.memref_slice %arg13[%add3A_40, %dma_start3A_52] : memref<10000x128xf32, #tpu.memory_space<vmem_shared>> -> memref<200x128xf32, #tpu.memory_space<vmem_shared>>
        tpu.enqueue_dma source(%dma_start3A_53 : memref<200x128xf32, #tpu.memory_space<vmem_shared>>) target(%arg12 : memref<200x128xf32, #tpu.memory_space<vmem>>) target_semaphore(%run_scoped3A : memref<!tpu.dma_semaphore, #tpu.memory_space<semaphore_mem>>)
        %dma_wait3A = arith.constant 0 : i32
        %dma_wait3A_54 = tpu.memref_slice %arg13[%add3A_40, %dma_wait3A] : memref<10000x128xf32, #tpu.memory_space<vmem_shared>> -> memref<200x128xf32, #tpu.memory_space<vmem_shared>>
        %dma_wait3A_55 = arith.constant 0 : i32
        %dma_wait3A_56 = tpu.memref_slice %arg13[%add3A_40, %dma_wait3A_55] : memref<10000x128xf32, #tpu.memory_space<vmem_shared>> -> memref<200x128xf32, #tpu.memory_space<vmem_shared>>
        tpu.wait_dma2 semaphore(%run_scoped3A : memref<!tpu.dma_semaphore, #tpu.memory_space<semaphore_mem>>) src(%dma_wait3A_56 : memref<200x128xf32, #tpu.memory_space<vmem_shared>>) dst(%arg12 : memref<200x128xf32, #tpu.memory_space<vmem>>)
        tpu.yield
      }) : () -> ()
      %mul3A_41 = arith.constant 10000 : i32
      %mul3A_42 = arith.muli %arg0, %mul3A_41 : i32
      %add3A_43 = arith.addi %mul3A_42, %add3A_40 : i32
      "tpu.region"() ({
        %run_scoped3A = tpu.sem_alloc : memref<!tpu.dma_semaphore, #tpu.memory_space<semaphore_mem>>
        %dma_start3A = arith.constant 0 : i32
        %dma_start3A_51 = tpu.memref_slice %arg8[%add3A_43, %dma_start3A] : memref<20000x128xf32, #tpu.memory_space<hbm>> -> memref<200x128xf32, #tpu.memory_space<hbm>>
        %dma_start3A_52 = arith.constant 0 : i32
        %dma_start3A_53 = tpu.memref_slice %arg8[%add3A_43, %dma_start3A_52] : memref<20000x128xf32, #tpu.memory_space<hbm>> -> memref<200x128xf32, #tpu.memory_space<hbm>>
        tpu.enqueue_dma source(%arg12 : memref<200x128xf32, #tpu.memory_space<vmem>>) target(%dma_start3A_53 : memref<200x128xf32, #tpu.memory_space<hbm>>) target_semaphore(%run_scoped3A : memref<!tpu.dma_semaphore, #tpu.memory_space<semaphore_mem>>)
        %dma_wait3A = arith.constant 0 : i32
        %dma_wait3A_54 = tpu.memref_slice %arg8[%add3A_43, %dma_wait3A] : memref<20000x128xf32, #tpu.memory_space<hbm>> -> memref<200x128xf32, #tpu.memory_space<hbm>>
        %dma_wait3A_55 = arith.constant 0 : i32
        %dma_wait3A_56 = tpu.memref_slice %arg8[%add3A_43, %dma_wait3A_55] : memref<20000x128xf32, #tpu.memory_space<hbm>> -> memref<200x128xf32, #tpu.memory_space<hbm>>
        tpu.wait_dma2 semaphore(%run_scoped3A : memref<!tpu.dma_semaphore, #tpu.memory_space<semaphore_mem>>) src(%arg12 : memref<200x128xf32, #tpu.memory_space<vmem>>) dst(%dma_wait3A_56 : memref<200x128xf32, #tpu.memory_space<hbm>>)
        tpu.yield
      }) : () -> ()
      %mul3A_44 = arith.constant 1000 : i32
      %mul3A_45 = arith.muli %arg1, %mul3A_44 : i32
      %add3A_46 = arith.constant 800 : i32
      %add3A_47 = arith.addi %mul3A_45, %add3A_46 : i32
      "tpu.region"() ({
        %run_scoped3A = tpu.sem_alloc : memref<!tpu.dma_semaphore, #tpu.memory_space<semaphore_mem>>
        %dma_start3A = arith.constant 0 : i32
        %dma_start3A_51 = tpu.memref_slice %arg13[%add3A_47, %dma_start3A] : memref<10000x128xf32, #tpu.memory_space<vmem_shared>> -> memref<200x128xf32, #tpu.memory_space<vmem_shared>>
        %dma_start3A_52 = arith.constant 0 : i32
        %dma_start3A_53 = tpu.memref_slice %arg13[%add3A_47, %dma_start3A_52] : memref<10000x128xf32, #tpu.memory_space<vmem_shared>> -> memref<200x128xf32, #tpu.memory_space<vmem_shared>>
        tpu.enqueue_dma source(%dma_start3A_53 : memref<200x128xf32, #tpu.memory_space<vmem_shared>>) target(%arg12 : memref<200x128xf32, #tpu.memory_space<vmem>>) target_semaphore(%run_scoped3A : memref<!tpu.dma_semaphore, #tpu.memory_space<semaphore_mem>>)
        %dma_wait3A = arith.constant 0 : i32
        %dma_wait3A_54 = tpu.memref_slice %arg13[%add3A_47, %dma_wait3A] : memref<10000x128xf32, #tpu.memory_space<vmem_shared>> -> memref<200x128xf32, #tpu.memory_space<vmem_shared>>
        %dma_wait3A_55 = arith.constant 0 : i32
        %dma_wait3A_56 = tpu.memref_slice %arg13[%add3A_47, %dma_wait3A_55] : memref<10000x128xf32, #tpu.memory_space<vmem_shared>> -> memref<200x128xf32, #tpu.memory_space<vmem_shared>>
        tpu.wait_dma2 semaphore(%run_scoped3A : memref<!tpu.dma_semaphore, #tpu.memory_space<semaphore_mem>>) src(%dma_wait3A_56 : memref<200x128xf32, #tpu.memory_space<vmem_shared>>) dst(%arg12 : memref<200x128xf32, #tpu.memory_space<vmem>>)
        tpu.yield
      }) : () -> ()
      %mul3A_48 = arith.constant 10000 : i32
      %mul3A_49 = arith.muli %arg0, %mul3A_48 : i32
      %add3A_50 = arith.addi %mul3A_49, %add3A_47 : i32
      "tpu.region"() ({
        %run_scoped3A = tpu.sem_alloc : memref<!tpu.dma_semaphore, #tpu.memory_space<semaphore_mem>>
        %dma_start3A = arith.constant 0 : i32
        %dma_start3A_51 = tpu.memref_slice %arg8[%add3A_50, %dma_start3A] : memref<20000x128xf32, #tpu.memory_space<hbm>> -> memref<200x128xf32, #tpu.memory_space<hbm>>
        %dma_start3A_52 = arith.constant 0 : i32
        %dma_start3A_53 = tpu.memref_slice %arg8[%add3A_50, %dma_start3A_52] : memref<20000x128xf32, #tpu.memory_space<hbm>> -> memref<200x128xf32, #tpu.memory_space<hbm>>
        tpu.enqueue_dma source(%arg12 : memref<200x128xf32, #tpu.memory_space<vmem>>) target(%dma_start3A_53 : memref<200x128xf32, #tpu.memory_space<hbm>>) target_semaphore(%run_scoped3A : memref<!tpu.dma_semaphore, #tpu.memory_space<semaphore_mem>>)
        %dma_wait3A = arith.constant 0 : i32
        %dma_wait3A_54 = tpu.memref_slice %arg8[%add3A_50, %dma_wait3A] : memref<20000x128xf32, #tpu.memory_space<hbm>> -> memref<200x128xf32, #tpu.memory_space<hbm>>
        %dma_wait3A_55 = arith.constant 0 : i32
        %dma_wait3A_56 = tpu.memref_slice %arg8[%add3A_50, %dma_wait3A_55] : memref<20000x128xf32, #tpu.memory_space<hbm>> -> memref<200x128xf32, #tpu.memory_space<hbm>>
        tpu.wait_dma2 semaphore(%run_scoped3A : memref<!tpu.dma_semaphore, #tpu.memory_space<semaphore_mem>>) src(%arg12 : memref<200x128xf32, #tpu.memory_space<vmem>>) dst(%dma_wait3A_56 : memref<200x128xf32, #tpu.memory_space<hbm>>)
        tpu.yield
      }) : () -> ()
    } else {
    }
    return
  }
}

#map = affine_map<(d0, d1) -> (0)>
#map1 = affine_map<(d0, d1) -> (0, 0)>
module attributes {stable_mosaic.version = 14 : i64} {
  func.func @body(%arg0: i32, %arg1: i32, %arg2: memref<320000xi32, #tpu.memory_space<hbm>>, %arg3: memref<320000xi32, #tpu.memory_space<hbm>>, %arg4: memref<10000x128xf32, #tpu.memory_space<hbm>>, %arg5: memref<10000xf32, #tpu.memory_space<hbm>>, %arg6: memref<200x128xf32, #tpu.memory_space<hbm>>, %arg7: memref<1000xf32, #tpu.memory_space<hbm>>, %arg8: memref<20000x128xf32, #tpu.memory_space<hbm>>, %arg9: memref<20000xf32, #tpu.memory_space<hbm>>, %arg10: memref<80xi32, #tpu.memory_space<vmem>>, %arg11: memref<80xi32, #tpu.memory_space<vmem>>, %arg12: memref<80x128xf32, #tpu.memory_space<vmem>>, %arg13: memref<200x128xf32, #tpu.memory_space<vmem>>, %arg14: memref<10000x128xf32, #tpu.memory_space<vmem_shared>>, %arg15: memref<!tpu.dma_semaphore, #tpu.memory_space<semaphore_mem>>, %arg16: memref<80xf32, #tpu.memory_space<vmem>>, %arg17: memref<1000xf32, #tpu.memory_space<vmem>>, %arg18: memref<10000xf32, #tpu.memory_space<vmem_shared>>) attributes {dimension_semantics = [#tpu.dimension_semantics<core_parallel>, #tpu.dimension_semantics<subcore_parallel>], iteration_bounds = array<i64: 2, 16>, scalar_prefetch = 0 : i64, scratch_operands = 9 : i64, tpu.core_type = #tpu.core_type<sc_vector_subcore>, window_params = [{transform_indices = #map}, {transform_indices = #map}, {transform_indices = #map1}, {transform_indices = #map}, {transform_indices = #map1}, {transform_indices = #map}, {transform_indices = #map1}, {transform_indices = #map}]} {
    %mul3A = arith.constant 16 : i32
    %mul3A_0 = arith.muli %arg0, %mul3A : i32
    %add3A = arith.addi %mul3A_0, %arg1 : i32
    "tpu.region"() ({
      %run_scoped3A = tpu.sem_alloc : memref<!tpu.dma_semaphore, #tpu.memory_space<semaphore_mem>>
      tpu.enqueue_dma source(%arg6 : memref<200x128xf32, #tpu.memory_space<hbm>>) target(%arg13 : memref<200x128xf32, #tpu.memory_space<vmem>>) target_semaphore(%run_scoped3A : memref<!tpu.dma_semaphore, #tpu.memory_space<semaphore_mem>>)
      tpu.wait_dma2 semaphore(%run_scoped3A : memref<!tpu.dma_semaphore, #tpu.memory_space<semaphore_mem>>) src(%arg6 : memref<200x128xf32, #tpu.memory_space<hbm>>) dst(%arg13 : memref<200x128xf32, #tpu.memory_space<vmem>>)
      tpu.yield
    }) : () -> ()
    %lt3A = arith.constant 10 : i32
    %lt3A_1 = arith.cmpi slt, %arg1, %lt3A : i32
    %convert_element_type3A = arith.extui %lt3A_1 : i1 to i32
    %cond3A = arith.constant 0 : i32
    %cond3A_2 = arith.cmpi ne, %convert_element_type3A, %cond3A : i32
    scf.if %cond3A_2 {
      %mul3A_16 = arith.constant 1000 : i32
      %mul3A_17 = arith.muli %arg1, %mul3A_16 : i32
      %add3A_18 = arith.constant 0 : i32
      %add3A_19 = arith.addi %mul3A_17, %add3A_18 : i32
      "tpu.region"() ({
        %run_scoped3A = tpu.sem_alloc : memref<!tpu.dma_semaphore, #tpu.memory_space<semaphore_mem>>
        %dma_start3A = arith.constant 0 : i32
        %dma_start3A_38 = tpu.memref_slice %arg14[%add3A_19, %dma_start3A] : memref<10000x128xf32, #tpu.memory_space<vmem_shared>> -> memref<200x128xf32, #tpu.memory_space<vmem_shared>>
        %dma_start3A_39 = arith.constant 0 : i32
        %dma_start3A_40 = tpu.memref_slice %arg14[%add3A_19, %dma_start3A_39] : memref<10000x128xf32, #tpu.memory_space<vmem_shared>> -> memref<200x128xf32, #tpu.memory_space<vmem_shared>>
        tpu.enqueue_dma source(%arg13 : memref<200x128xf32, #tpu.memory_space<vmem>>) target(%dma_start3A_40 : memref<200x128xf32, #tpu.memory_space<vmem_shared>>) target_semaphore(%run_scoped3A : memref<!tpu.dma_semaphore, #tpu.memory_space<semaphore_mem>>)
        %dma_wait3A = arith.constant 0 : i32
        %dma_wait3A_41 = tpu.memref_slice %arg14[%add3A_19, %dma_wait3A] : memref<10000x128xf32, #tpu.memory_space<vmem_shared>> -> memref<200x128xf32, #tpu.memory_space<vmem_shared>>
        %dma_wait3A_42 = arith.constant 0 : i32
        %dma_wait3A_43 = tpu.memref_slice %arg14[%add3A_19, %dma_wait3A_42] : memref<10000x128xf32, #tpu.memory_space<vmem_shared>> -> memref<200x128xf32, #tpu.memory_space<vmem_shared>>
        tpu.wait_dma2 semaphore(%run_scoped3A : memref<!tpu.dma_semaphore, #tpu.memory_space<semaphore_mem>>) src(%arg13 : memref<200x128xf32, #tpu.memory_space<vmem>>) dst(%dma_wait3A_43 : memref<200x128xf32, #tpu.memory_space<vmem_shared>>)
        tpu.yield
      }) : () -> ()
      %mul3A_20 = arith.constant 1000 : i32
      %mul3A_21 = arith.muli %arg1, %mul3A_20 : i32
      %add3A_22 = arith.constant 200 : i32
      %add3A_23 = arith.addi %mul3A_21, %add3A_22 : i32
      "tpu.region"() ({
        %run_scoped3A = tpu.sem_alloc : memref<!tpu.dma_semaphore, #tpu.memory_space<semaphore_mem>>
        %dma_start3A = arith.constant 0 : i32
        %dma_start3A_38 = tpu.memref_slice %arg14[%add3A_23, %dma_start3A] : memref<10000x128xf32, #tpu.memory_space<vmem_shared>> -> memref<200x128xf32, #tpu.memory_space<vmem_shared>>
        %dma_start3A_39 = arith.constant 0 : i32
        %dma_start3A_40 = tpu.memref_slice %arg14[%add3A_23, %dma_start3A_39] : memref<10000x128xf32, #tpu.memory_space<vmem_shared>> -> memref<200x128xf32, #tpu.memory_space<vmem_shared>>
        tpu.enqueue_dma source(%arg13 : memref<200x128xf32, #tpu.memory_space<vmem>>) target(%dma_start3A_40 : memref<200x128xf32, #tpu.memory_space<vmem_shared>>) target_semaphore(%run_scoped3A : memref<!tpu.dma_semaphore, #tpu.memory_space<semaphore_mem>>)
        %dma_wait3A = arith.constant 0 : i32
        %dma_wait3A_41 = tpu.memref_slice %arg14[%add3A_23, %dma_wait3A] : memref<10000x128xf32, #tpu.memory_space<vmem_shared>> -> memref<200x128xf32, #tpu.memory_space<vmem_shared>>
        %dma_wait3A_42 = arith.constant 0 : i32
        %dma_wait3A_43 = tpu.memref_slice %arg14[%add3A_23, %dma_wait3A_42] : memref<10000x128xf32, #tpu.memory_space<vmem_shared>> -> memref<200x128xf32, #tpu.memory_space<vmem_shared>>
        tpu.wait_dma2 semaphore(%run_scoped3A : memref<!tpu.dma_semaphore, #tpu.memory_space<semaphore_mem>>) src(%arg13 : memref<200x128xf32, #tpu.memory_space<vmem>>) dst(%dma_wait3A_43 : memref<200x128xf32, #tpu.memory_space<vmem_shared>>)
        tpu.yield
      }) : () -> ()
      %mul3A_24 = arith.constant 1000 : i32
      %mul3A_25 = arith.muli %arg1, %mul3A_24 : i32
      %add3A_26 = arith.constant 400 : i32
      %add3A_27 = arith.addi %mul3A_25, %add3A_26 : i32
      "tpu.region"() ({
        %run_scoped3A = tpu.sem_alloc : memref<!tpu.dma_semaphore, #tpu.memory_space<semaphore_mem>>
        %dma_start3A = arith.constant 0 : i32
        %dma_start3A_38 = tpu.memref_slice %arg14[%add3A_27, %dma_start3A] : memref<10000x128xf32, #tpu.memory_space<vmem_shared>> -> memref<200x128xf32, #tpu.memory_space<vmem_shared>>
        %dma_start3A_39 = arith.constant 0 : i32
        %dma_start3A_40 = tpu.memref_slice %arg14[%add3A_27, %dma_start3A_39] : memref<10000x128xf32, #tpu.memory_space<vmem_shared>> -> memref<200x128xf32, #tpu.memory_space<vmem_shared>>
        tpu.enqueue_dma source(%arg13 : memref<200x128xf32, #tpu.memory_space<vmem>>) target(%dma_start3A_40 : memref<200x128xf32, #tpu.memory_space<vmem_shared>>) target_semaphore(%run_scoped3A : memref<!tpu.dma_semaphore, #tpu.memory_space<semaphore_mem>>)
        %dma_wait3A = arith.constant 0 : i32
        %dma_wait3A_41 = tpu.memref_slice %arg14[%add3A_27, %dma_wait3A] : memref<10000x128xf32, #tpu.memory_space<vmem_shared>> -> memref<200x128xf32, #tpu.memory_space<vmem_shared>>
        %dma_wait3A_42 = arith.constant 0 : i32
        %dma_wait3A_43 = tpu.memref_slice %arg14[%add3A_27, %dma_wait3A_42] : memref<10000x128xf32, #tpu.memory_space<vmem_shared>> -> memref<200x128xf32, #tpu.memory_space<vmem_shared>>
        tpu.wait_dma2 semaphore(%run_scoped3A : memref<!tpu.dma_semaphore, #tpu.memory_space<semaphore_mem>>) src(%arg13 : memref<200x128xf32, #tpu.memory_space<vmem>>) dst(%dma_wait3A_43 : memref<200x128xf32, #tpu.memory_space<vmem_shared>>)
        tpu.yield
      }) : () -> ()
      %mul3A_28 = arith.constant 1000 : i32
      %mul3A_29 = arith.muli %arg1, %mul3A_28 : i32
      %add3A_30 = arith.constant 600 : i32
      %add3A_31 = arith.addi %mul3A_29, %add3A_30 : i32
      "tpu.region"() ({
        %run_scoped3A = tpu.sem_alloc : memref<!tpu.dma_semaphore, #tpu.memory_space<semaphore_mem>>
        %dma_start3A = arith.constant 0 : i32
        %dma_start3A_38 = tpu.memref_slice %arg14[%add3A_31, %dma_start3A] : memref<10000x128xf32, #tpu.memory_space<vmem_shared>> -> memref<200x128xf32, #tpu.memory_space<vmem_shared>>
        %dma_start3A_39 = arith.constant 0 : i32
        %dma_start3A_40 = tpu.memref_slice %arg14[%add3A_31, %dma_start3A_39] : memref<10000x128xf32, #tpu.memory_space<vmem_shared>> -> memref<200x128xf32, #tpu.memory_space<vmem_shared>>
        tpu.enqueue_dma source(%arg13 : memref<200x128xf32, #tpu.memory_space<vmem>>) target(%dma_start3A_40 : memref<200x128xf32, #tpu.memory_space<vmem_shared>>) target_semaphore(%run_scoped3A : memref<!tpu.dma_semaphore, #tpu.memory_space<semaphore_mem>>)
        %dma_wait3A = arith.constant 0 : i32
        %dma_wait3A_41 = tpu.memref_slice %arg14[%add3A_31, %dma_wait3A] : memref<10000x128xf32, #tpu.memory_space<vmem_shared>> -> memref<200x128xf32, #tpu.memory_space<vmem_shared>>
        %dma_wait3A_42 = arith.constant 0 : i32
        %dma_wait3A_43 = tpu.memref_slice %arg14[%add3A_31, %dma_wait3A_42] : memref<10000x128xf32, #tpu.memory_space<vmem_shared>> -> memref<200x128xf32, #tpu.memory_space<vmem_shared>>
        tpu.wait_dma2 semaphore(%run_scoped3A : memref<!tpu.dma_semaphore, #tpu.memory_space<semaphore_mem>>) src(%arg13 : memref<200x128xf32, #tpu.memory_space<vmem>>) dst(%dma_wait3A_43 : memref<200x128xf32, #tpu.memory_space<vmem_shared>>)
        tpu.yield
      }) : () -> ()
      %mul3A_32 = arith.constant 1000 : i32
      %mul3A_33 = arith.muli %arg1, %mul3A_32 : i32
      %add3A_34 = arith.constant 800 : i32
      %add3A_35 = arith.addi %mul3A_33, %add3A_34 : i32
      "tpu.region"() ({
        %run_scoped3A = tpu.sem_alloc : memref<!tpu.dma_semaphore, #tpu.memory_space<semaphore_mem>>
        %dma_start3A = arith.constant 0 : i32
        %dma_start3A_38 = tpu.memref_slice %arg14[%add3A_35, %dma_start3A] : memref<10000x128xf32, #tpu.memory_space<vmem_shared>> -> memref<200x128xf32, #tpu.memory_space<vmem_shared>>
        %dma_start3A_39 = arith.constant 0 : i32
        %dma_start3A_40 = tpu.memref_slice %arg14[%add3A_35, %dma_start3A_39] : memref<10000x128xf32, #tpu.memory_space<vmem_shared>> -> memref<200x128xf32, #tpu.memory_space<vmem_shared>>
        tpu.enqueue_dma source(%arg13 : memref<200x128xf32, #tpu.memory_space<vmem>>) target(%dma_start3A_40 : memref<200x128xf32, #tpu.memory_space<vmem_shared>>) target_semaphore(%run_scoped3A : memref<!tpu.dma_semaphore, #tpu.memory_space<semaphore_mem>>)
        %dma_wait3A = arith.constant 0 : i32
        %dma_wait3A_41 = tpu.memref_slice %arg14[%add3A_35, %dma_wait3A] : memref<10000x128xf32, #tpu.memory_space<vmem_shared>> -> memref<200x128xf32, #tpu.memory_space<vmem_shared>>
        %dma_wait3A_42 = arith.constant 0 : i32
        %dma_wait3A_43 = tpu.memref_slice %arg14[%add3A_35, %dma_wait3A_42] : memref<10000x128xf32, #tpu.memory_space<vmem_shared>> -> memref<200x128xf32, #tpu.memory_space<vmem_shared>>
        tpu.wait_dma2 semaphore(%run_scoped3A : memref<!tpu.dma_semaphore, #tpu.memory_space<semaphore_mem>>) src(%arg13 : memref<200x128xf32, #tpu.memory_space<vmem>>) dst(%dma_wait3A_43 : memref<200x128xf32, #tpu.memory_space<vmem_shared>>)
        tpu.yield
      }) : () -> ()
      "tpu.region"() ({
        %run_scoped3A = tpu.sem_alloc : memref<!tpu.dma_semaphore, #tpu.memory_space<semaphore_mem>>
        tpu.enqueue_dma source(%arg7 : memref<1000xf32, #tpu.memory_space<hbm>>) target(%arg17 : memref<1000xf32, #tpu.memory_space<vmem>>) target_semaphore(%run_scoped3A : memref<!tpu.dma_semaphore, #tpu.memory_space<semaphore_mem>>)
        tpu.wait_dma2 semaphore(%run_scoped3A : memref<!tpu.dma_semaphore, #tpu.memory_space<semaphore_mem>>) src(%arg7 : memref<1000xf32, #tpu.memory_space<hbm>>) dst(%arg17 : memref<1000xf32, #tpu.memory_space<vmem>>)
        tpu.yield
      }) : () -> ()
      %mul3A_36 = arith.constant 1000 : i32
      %mul3A_37 = arith.muli %arg1, %mul3A_36 : i32
      "tpu.region"() ({
        %run_scoped3A = tpu.sem_alloc : memref<!tpu.dma_semaphore, #tpu.memory_space<semaphore_mem>>
        %dma_start3A = tpu.memref_slice %arg18[%mul3A_37] : memref<10000xf32, #tpu.memory_space<vmem_shared>> -> memref<1000xf32, #tpu.memory_space<vmem_shared>>
        %dma_start3A_38 = tpu.memref_slice %arg18[%mul3A_37] : memref<10000xf32, #tpu.memory_space<vmem_shared>> -> memref<1000xf32, #tpu.memory_space<vmem_shared>>
        tpu.enqueue_dma source(%arg17 : memref<1000xf32, #tpu.memory_space<vmem>>) target(%dma_start3A_38 : memref<1000xf32, #tpu.memory_space<vmem_shared>>) target_semaphore(%run_scoped3A : memref<!tpu.dma_semaphore, #tpu.memory_space<semaphore_mem>>)
        %dma_wait3A = tpu.memref_slice %arg18[%mul3A_37] : memref<10000xf32, #tpu.memory_space<vmem_shared>> -> memref<1000xf32, #tpu.memory_space<vmem_shared>>
        %dma_wait3A_39 = tpu.memref_slice %arg18[%mul3A_37] : memref<10000xf32, #tpu.memory_space<vmem_shared>> -> memref<1000xf32, #tpu.memory_space<vmem_shared>>
        tpu.wait_dma2 semaphore(%run_scoped3A : memref<!tpu.dma_semaphore, #tpu.memory_space<semaphore_mem>>) src(%arg17 : memref<1000xf32, #tpu.memory_space<vmem>>) dst(%dma_wait3A_39 : memref<1000xf32, #tpu.memory_space<vmem_shared>>)
        tpu.yield
      }) : () -> ()
    } else {
    }
    %barrier3A = arith.constant 0 : index
    tpu.barrier barrier_id(%barrier3A)
    %mul3A_3 = arith.constant 10000 : i32
    %mul3A_4 = arith.muli %add3A, %mul3A_3 : i32
    %scan3A = arith.constant 0 : i32
    %scan3A_5 = arith.constant 0 : i32
    %scan3A_6 = arith.constant 125 : i32
    %scan3A_7 = arith.addi %scan3A_5, %scan3A_6 : i32
    %scan3A_8 = arith.constant 1 : i32
    scf.for %scan3A_16 = %scan3A_5 to %scan3A_7 step %scan3A_8  : i32 {
      %mul3A_17 = arith.constant 80 : i32
      %mul3A_18 = arith.muli %scan3A_16, %mul3A_17 : i32
      %add3A_19 = arith.addi %mul3A_4, %mul3A_18 : i32
      "tpu.region"() ({
        %run_scoped3A = tpu.sem_alloc : memref<!tpu.dma_semaphore, #tpu.memory_space<semaphore_mem>>
        %dma_start3A_28 = tpu.memref_slice %arg2[%add3A_19] : memref<320000xi32, #tpu.memory_space<hbm>> -> memref<80xi32, #tpu.memory_space<hbm>>
        %dma_start3A_29 = tpu.memref_slice %arg2[%add3A_19] : memref<320000xi32, #tpu.memory_space<hbm>> -> memref<80xi32, #tpu.memory_space<hbm>>
        tpu.enqueue_dma source(%dma_start3A_29 : memref<80xi32, #tpu.memory_space<hbm>>) target(%arg10 : memref<80xi32, #tpu.memory_space<vmem>>) target_semaphore(%run_scoped3A : memref<!tpu.dma_semaphore, #tpu.memory_space<semaphore_mem>>)
        %dma_wait3A_30 = tpu.memref_slice %arg2[%add3A_19] : memref<320000xi32, #tpu.memory_space<hbm>> -> memref<80xi32, #tpu.memory_space<hbm>>
        %dma_wait3A_31 = tpu.memref_slice %arg2[%add3A_19] : memref<320000xi32, #tpu.memory_space<hbm>> -> memref<80xi32, #tpu.memory_space<hbm>>
        tpu.wait_dma2 semaphore(%run_scoped3A : memref<!tpu.dma_semaphore, #tpu.memory_space<semaphore_mem>>) src(%dma_wait3A_31 : memref<80xi32, #tpu.memory_space<hbm>>) dst(%arg10 : memref<80xi32, #tpu.memory_space<vmem>>)
        tpu.yield
      }) : () -> ()
      "tpu.region"() ({
        %run_scoped3A = tpu.sem_alloc : memref<!tpu.dma_semaphore, #tpu.memory_space<semaphore_mem>>
        %dma_start3A_28 = tpu.memref_slice %arg3[%add3A_19] : memref<320000xi32, #tpu.memory_space<hbm>> -> memref<80xi32, #tpu.memory_space<hbm>>
        %dma_start3A_29 = tpu.memref_slice %arg3[%add3A_19] : memref<320000xi32, #tpu.memory_space<hbm>> -> memref<80xi32, #tpu.memory_space<hbm>>
        tpu.enqueue_dma source(%dma_start3A_29 : memref<80xi32, #tpu.memory_space<hbm>>) target(%arg11 : memref<80xi32, #tpu.memory_space<vmem>>) target_semaphore(%run_scoped3A : memref<!tpu.dma_semaphore, #tpu.memory_space<semaphore_mem>>)
        %dma_wait3A_30 = tpu.memref_slice %arg3[%add3A_19] : memref<320000xi32, #tpu.memory_space<hbm>> -> memref<80xi32, #tpu.memory_space<hbm>>
        %dma_wait3A_31 = tpu.memref_slice %arg3[%add3A_19] : memref<320000xi32, #tpu.memory_space<hbm>> -> memref<80xi32, #tpu.memory_space<hbm>>
        tpu.wait_dma2 semaphore(%run_scoped3A : memref<!tpu.dma_semaphore, #tpu.memory_space<semaphore_mem>>) src(%dma_wait3A_31 : memref<80xi32, #tpu.memory_space<hbm>>) dst(%arg11 : memref<80xi32, #tpu.memory_space<vmem>>)
        tpu.yield
      }) : () -> ()
      %dma_start3A = arith.constant 0 : i32
      %dma_start3A_20 = arith.constant 0 : i32
      %dma_start3A_21 = tpu.memref_slice %arg4[%dma_start3A, %dma_start3A_20] : memref<10000x128xf32, #tpu.memory_space<hbm>> -> memref<10000x128xf32, #tpu.memory_space<hbm>>
      tpu.enqueue_indirect_dma source(%dma_start3A_21 : memref<10000x128xf32, #tpu.memory_space<hbm>>) target(%arg12 : memref<80x128xf32, #tpu.memory_space<vmem>>) offsets(%arg10 : memref<80xi32, #tpu.memory_space<vmem>>) semaphore(%arg15 : memref<!tpu.dma_semaphore, #tpu.memory_space<semaphore_mem>>)
      %dma_wait3A = arith.constant 0 : i32
      %dma_wait3A_22 = arith.constant 0 : i32
      %dma_wait3A_23 = tpu.memref_slice %arg4[%dma_wait3A, %dma_wait3A_22] : memref<10000x128xf32, #tpu.memory_space<hbm>> -> memref<10000x128xf32, #tpu.memory_space<hbm>>
      tpu.wait_indirect_dma semaphore(%arg15 : memref<!tpu.dma_semaphore, #tpu.memory_space<semaphore_mem>>) src(%dma_wait3A_23 : memref<10000x128xf32, #tpu.memory_space<hbm>>) dst(%arg12 : memref<80x128xf32, #tpu.memory_space<vmem>>)
      "tpu.region"() ({
        %run_scoped3A = tpu.sem_alloc : memref<!tpu.dma_semaphore, #tpu.memory_space<semaphore_mem>>
        %dma_start3A_28 = arith.constant 0 : i32
        %dma_start3A_29 = arith.constant 0 : i32
        %dma_start3A_30 = tpu.memref_slice %arg14[%dma_start3A_28, %dma_start3A_29] : memref<10000x128xf32, #tpu.memory_space<vmem_shared>> -> memref<10000x128xf32, #tpu.memory_space<vmem_shared>>
        tpu.enqueue_indirect_dma source(%arg12 : memref<80x128xf32, #tpu.memory_space<vmem>>) target(%dma_start3A_30 : memref<10000x128xf32, #tpu.memory_space<vmem_shared>>) offsets(%arg11 : memref<80xi32, #tpu.memory_space<vmem>>) semaphore(%run_scoped3A : memref<!tpu.dma_semaphore, #tpu.memory_space<semaphore_mem>>) {add = true}
        %dma_wait3A_31 = arith.constant 0 : i32
        %dma_wait3A_32 = arith.constant 0 : i32
        %dma_wait3A_33 = tpu.memref_slice %arg14[%dma_wait3A_31, %dma_wait3A_32] : memref<10000x128xf32, #tpu.memory_space<vmem_shared>> -> memref<10000x128xf32, #tpu.memory_space<vmem_shared>>
        tpu.wait_indirect_dma semaphore(%run_scoped3A : memref<!tpu.dma_semaphore, #tpu.memory_space<semaphore_mem>>) src(%arg12 : memref<80x128xf32, #tpu.memory_space<vmem>>) dst(%dma_wait3A_33 : memref<10000x128xf32, #tpu.memory_space<vmem_shared>>)
        tpu.yield
      }) : () -> ()
      %dma_start3A_24 = arith.constant 0 : i32
      %dma_start3A_25 = tpu.memref_slice %arg5[%dma_start3A_24] : memref<10000xf32, #tpu.memory_space<hbm>> -> memref<10000xf32, #tpu.memory_space<hbm>>
      tpu.enqueue_indirect_dma source(%dma_start3A_25 : memref<10000xf32, #tpu.memory_space<hbm>>) target(%arg16 : memref<80xf32, #tpu.memory_space<vmem>>) offsets(%arg11 : memref<80xi32, #tpu.memory_space<vmem>>) semaphore(%arg15 : memref<!tpu.dma_semaphore, #tpu.memory_space<semaphore_mem>>)
      %dma_wait3A_26 = arith.constant 0 : i32
      %dma_wait3A_27 = tpu.memref_slice %arg5[%dma_wait3A_26] : memref<10000xf32, #tpu.memory_space<hbm>> -> memref<10000xf32, #tpu.memory_space<hbm>>
      tpu.wait_indirect_dma semaphore(%arg15 : memref<!tpu.dma_semaphore, #tpu.memory_space<semaphore_mem>>) src(%dma_wait3A_27 : memref<10000xf32, #tpu.memory_space<hbm>>) dst(%arg16 : memref<80xf32, #tpu.memory_space<vmem>>)
      "tpu.region"() ({
        %run_scoped3A = tpu.sem_alloc : memref<!tpu.dma_semaphore, #tpu.memory_space<semaphore_mem>>
        %dma_start3A_28 = arith.constant 0 : i32
        %dma_start3A_29 = tpu.memref_slice %arg18[%dma_start3A_28] : memref<10000xf32, #tpu.memory_space<vmem_shared>> -> memref<10000xf32, #tpu.memory_space<vmem_shared>>
        tpu.enqueue_indirect_dma source(%arg16 : memref<80xf32, #tpu.memory_space<vmem>>) target(%dma_start3A_29 : memref<10000xf32, #tpu.memory_space<vmem_shared>>) offsets(%arg10 : memref<80xi32, #tpu.memory_space<vmem>>) semaphore(%run_scoped3A : memref<!tpu.dma_semaphore, #tpu.memory_space<semaphore_mem>>) {add = true}
        %dma_wait3A_30 = arith.constant 0 : i32
        %dma_wait3A_31 = tpu.memref_slice %arg18[%dma_wait3A_30] : memref<10000xf32, #tpu.memory_space<vmem_shared>> -> memref<10000xf32, #tpu.memory_space<vmem_shared>>
        tpu.wait_indirect_dma semaphore(%run_scoped3A : memref<!tpu.dma_semaphore, #tpu.memory_space<semaphore_mem>>) src(%arg16 : memref<80xf32, #tpu.memory_space<vmem>>) dst(%dma_wait3A_31 : memref<10000xf32, #tpu.memory_space<vmem_shared>>)
        tpu.yield
      }) : () -> ()
    }
    %scan3A_9 = arith.constant 125 : i32
    %barrier3A_10 = arith.constant 0 : index
    tpu.barrier barrier_id(%barrier3A_10)
    %lt3A_11 = arith.constant 10 : i32
    %lt3A_12 = arith.cmpi slt, %arg1, %lt3A_11 : i32
    %convert_element_type3A_13 = arith.extui %lt3A_12 : i1 to i32
    %cond3A_14 = arith.constant 0 : i32
    %cond3A_15 = arith.cmpi ne, %convert_element_type3A_13, %cond3A_14 : i32
    scf.if %cond3A_15 {
      %mul3A_16 = arith.constant 1000 : i32
      %mul3A_17 = arith.muli %arg1, %mul3A_16 : i32
      %add3A_18 = arith.constant 0 : i32
      %add3A_19 = arith.addi %mul3A_17, %add3A_18 : i32
      "tpu.region"() ({
        %run_scoped3A = tpu.sem_alloc : memref<!tpu.dma_semaphore, #tpu.memory_space<semaphore_mem>>
        %dma_start3A = arith.constant 0 : i32
        %dma_start3A_58 = tpu.memref_slice %arg14[%add3A_19, %dma_start3A] : memref<10000x128xf32, #tpu.memory_space<vmem_shared>> -> memref<200x128xf32, #tpu.memory_space<vmem_shared>>
        %dma_start3A_59 = arith.constant 0 : i32
        %dma_start3A_60 = tpu.memref_slice %arg14[%add3A_19, %dma_start3A_59] : memref<10000x128xf32, #tpu.memory_space<vmem_shared>> -> memref<200x128xf32, #tpu.memory_space<vmem_shared>>
        tpu.enqueue_dma source(%dma_start3A_60 : memref<200x128xf32, #tpu.memory_space<vmem_shared>>) target(%arg13 : memref<200x128xf32, #tpu.memory_space<vmem>>) target_semaphore(%run_scoped3A : memref<!tpu.dma_semaphore, #tpu.memory_space<semaphore_mem>>)
        %dma_wait3A = arith.constant 0 : i32
        %dma_wait3A_61 = tpu.memref_slice %arg14[%add3A_19, %dma_wait3A] : memref<10000x128xf32, #tpu.memory_space<vmem_shared>> -> memref<200x128xf32, #tpu.memory_space<vmem_shared>>
        %dma_wait3A_62 = arith.constant 0 : i32
        %dma_wait3A_63 = tpu.memref_slice %arg14[%add3A_19, %dma_wait3A_62] : memref<10000x128xf32, #tpu.memory_space<vmem_shared>> -> memref<200x128xf32, #tpu.memory_space<vmem_shared>>
        tpu.wait_dma2 semaphore(%run_scoped3A : memref<!tpu.dma_semaphore, #tpu.memory_space<semaphore_mem>>) src(%dma_wait3A_63 : memref<200x128xf32, #tpu.memory_space<vmem_shared>>) dst(%arg13 : memref<200x128xf32, #tpu.memory_space<vmem>>)
        tpu.yield
      }) : () -> ()
      %mul3A_20 = arith.constant 10000 : i32
      %mul3A_21 = arith.muli %arg0, %mul3A_20 : i32
      %add3A_22 = arith.addi %mul3A_21, %add3A_19 : i32
      "tpu.region"() ({
        %run_scoped3A = tpu.sem_alloc : memref<!tpu.dma_semaphore, #tpu.memory_space<semaphore_mem>>
        %dma_start3A = arith.constant 0 : i32
        %dma_start3A_58 = tpu.memref_slice %arg8[%add3A_22, %dma_start3A] : memref<20000x128xf32, #tpu.memory_space<hbm>> -> memref<200x128xf32, #tpu.memory_space<hbm>>
        %dma_start3A_59 = arith.constant 0 : i32
        %dma_start3A_60 = tpu.memref_slice %arg8[%add3A_22, %dma_start3A_59] : memref<20000x128xf32, #tpu.memory_space<hbm>> -> memref<200x128xf32, #tpu.memory_space<hbm>>
        tpu.enqueue_dma source(%arg13 : memref<200x128xf32, #tpu.memory_space<vmem>>) target(%dma_start3A_60 : memref<200x128xf32, #tpu.memory_space<hbm>>) target_semaphore(%run_scoped3A : memref<!tpu.dma_semaphore, #tpu.memory_space<semaphore_mem>>)
        %dma_wait3A = arith.constant 0 : i32
        %dma_wait3A_61 = tpu.memref_slice %arg8[%add3A_22, %dma_wait3A] : memref<20000x128xf32, #tpu.memory_space<hbm>> -> memref<200x128xf32, #tpu.memory_space<hbm>>
        %dma_wait3A_62 = arith.constant 0 : i32
        %dma_wait3A_63 = tpu.memref_slice %arg8[%add3A_22, %dma_wait3A_62] : memref<20000x128xf32, #tpu.memory_space<hbm>> -> memref<200x128xf32, #tpu.memory_space<hbm>>
        tpu.wait_dma2 semaphore(%run_scoped3A : memref<!tpu.dma_semaphore, #tpu.memory_space<semaphore_mem>>) src(%arg13 : memref<200x128xf32, #tpu.memory_space<vmem>>) dst(%dma_wait3A_63 : memref<200x128xf32, #tpu.memory_space<hbm>>)
        tpu.yield
      }) : () -> ()
      %mul3A_23 = arith.constant 1000 : i32
      %mul3A_24 = arith.muli %arg1, %mul3A_23 : i32
      %add3A_25 = arith.constant 200 : i32
      %add3A_26 = arith.addi %mul3A_24, %add3A_25 : i32
      "tpu.region"() ({
        %run_scoped3A = tpu.sem_alloc : memref<!tpu.dma_semaphore, #tpu.memory_space<semaphore_mem>>
        %dma_start3A = arith.constant 0 : i32
        %dma_start3A_58 = tpu.memref_slice %arg14[%add3A_26, %dma_start3A] : memref<10000x128xf32, #tpu.memory_space<vmem_shared>> -> memref<200x128xf32, #tpu.memory_space<vmem_shared>>
        %dma_start3A_59 = arith.constant 0 : i32
        %dma_start3A_60 = tpu.memref_slice %arg14[%add3A_26, %dma_start3A_59] : memref<10000x128xf32, #tpu.memory_space<vmem_shared>> -> memref<200x128xf32, #tpu.memory_space<vmem_shared>>
        tpu.enqueue_dma source(%dma_start3A_60 : memref<200x128xf32, #tpu.memory_space<vmem_shared>>) target(%arg13 : memref<200x128xf32, #tpu.memory_space<vmem>>) target_semaphore(%run_scoped3A : memref<!tpu.dma_semaphore, #tpu.memory_space<semaphore_mem>>)
        %dma_wait3A = arith.constant 0 : i32
        %dma_wait3A_61 = tpu.memref_slice %arg14[%add3A_26, %dma_wait3A] : memref<10000x128xf32, #tpu.memory_space<vmem_shared>> -> memref<200x128xf32, #tpu.memory_space<vmem_shared>>
        %dma_wait3A_62 = arith.constant 0 : i32
        %dma_wait3A_63 = tpu.memref_slice %arg14[%add3A_26, %dma_wait3A_62] : memref<10000x128xf32, #tpu.memory_space<vmem_shared>> -> memref<200x128xf32, #tpu.memory_space<vmem_shared>>
        tpu.wait_dma2 semaphore(%run_scoped3A : memref<!tpu.dma_semaphore, #tpu.memory_space<semaphore_mem>>) src(%dma_wait3A_63 : memref<200x128xf32, #tpu.memory_space<vmem_shared>>) dst(%arg13 : memref<200x128xf32, #tpu.memory_space<vmem>>)
        tpu.yield
      }) : () -> ()
      %mul3A_27 = arith.constant 10000 : i32
      %mul3A_28 = arith.muli %arg0, %mul3A_27 : i32
      %add3A_29 = arith.addi %mul3A_28, %add3A_26 : i32
      "tpu.region"() ({
        %run_scoped3A = tpu.sem_alloc : memref<!tpu.dma_semaphore, #tpu.memory_space<semaphore_mem>>
        %dma_start3A = arith.constant 0 : i32
        %dma_start3A_58 = tpu.memref_slice %arg8[%add3A_29, %dma_start3A] : memref<20000x128xf32, #tpu.memory_space<hbm>> -> memref<200x128xf32, #tpu.memory_space<hbm>>
        %dma_start3A_59 = arith.constant 0 : i32
        %dma_start3A_60 = tpu.memref_slice %arg8[%add3A_29, %dma_start3A_59] : memref<20000x128xf32, #tpu.memory_space<hbm>> -> memref<200x128xf32, #tpu.memory_space<hbm>>
        tpu.enqueue_dma source(%arg13 : memref<200x128xf32, #tpu.memory_space<vmem>>) target(%dma_start3A_60 : memref<200x128xf32, #tpu.memory_space<hbm>>) target_semaphore(%run_scoped3A : memref<!tpu.dma_semaphore, #tpu.memory_space<semaphore_mem>>)
        %dma_wait3A = arith.constant 0 : i32
        %dma_wait3A_61 = tpu.memref_slice %arg8[%add3A_29, %dma_wait3A] : memref<20000x128xf32, #tpu.memory_space<hbm>> -> memref<200x128xf32, #tpu.memory_space<hbm>>
        %dma_wait3A_62 = arith.constant 0 : i32
        %dma_wait3A_63 = tpu.memref_slice %arg8[%add3A_29, %dma_wait3A_62] : memref<20000x128xf32, #tpu.memory_space<hbm>> -> memref<200x128xf32, #tpu.memory_space<hbm>>
        tpu.wait_dma2 semaphore(%run_scoped3A : memref<!tpu.dma_semaphore, #tpu.memory_space<semaphore_mem>>) src(%arg13 : memref<200x128xf32, #tpu.memory_space<vmem>>) dst(%dma_wait3A_63 : memref<200x128xf32, #tpu.memory_space<hbm>>)
        tpu.yield
      }) : () -> ()
      %mul3A_30 = arith.constant 1000 : i32
      %mul3A_31 = arith.muli %arg1, %mul3A_30 : i32
      %add3A_32 = arith.constant 400 : i32
      %add3A_33 = arith.addi %mul3A_31, %add3A_32 : i32
      "tpu.region"() ({
        %run_scoped3A = tpu.sem_alloc : memref<!tpu.dma_semaphore, #tpu.memory_space<semaphore_mem>>
        %dma_start3A = arith.constant 0 : i32
        %dma_start3A_58 = tpu.memref_slice %arg14[%add3A_33, %dma_start3A] : memref<10000x128xf32, #tpu.memory_space<vmem_shared>> -> memref<200x128xf32, #tpu.memory_space<vmem_shared>>
        %dma_start3A_59 = arith.constant 0 : i32
        %dma_start3A_60 = tpu.memref_slice %arg14[%add3A_33, %dma_start3A_59] : memref<10000x128xf32, #tpu.memory_space<vmem_shared>> -> memref<200x128xf32, #tpu.memory_space<vmem_shared>>
        tpu.enqueue_dma source(%dma_start3A_60 : memref<200x128xf32, #tpu.memory_space<vmem_shared>>) target(%arg13 : memref<200x128xf32, #tpu.memory_space<vmem>>) target_semaphore(%run_scoped3A : memref<!tpu.dma_semaphore, #tpu.memory_space<semaphore_mem>>)
        %dma_wait3A = arith.constant 0 : i32
        %dma_wait3A_61 = tpu.memref_slice %arg14[%add3A_33, %dma_wait3A] : memref<10000x128xf32, #tpu.memory_space<vmem_shared>> -> memref<200x128xf32, #tpu.memory_space<vmem_shared>>
        %dma_wait3A_62 = arith.constant 0 : i32
        %dma_wait3A_63 = tpu.memref_slice %arg14[%add3A_33, %dma_wait3A_62] : memref<10000x128xf32, #tpu.memory_space<vmem_shared>> -> memref<200x128xf32, #tpu.memory_space<vmem_shared>>
        tpu.wait_dma2 semaphore(%run_scoped3A : memref<!tpu.dma_semaphore, #tpu.memory_space<semaphore_mem>>) src(%dma_wait3A_63 : memref<200x128xf32, #tpu.memory_space<vmem_shared>>) dst(%arg13 : memref<200x128xf32, #tpu.memory_space<vmem>>)
        tpu.yield
      }) : () -> ()
      %mul3A_34 = arith.constant 10000 : i32
      %mul3A_35 = arith.muli %arg0, %mul3A_34 : i32
      %add3A_36 = arith.addi %mul3A_35, %add3A_33 : i32
      "tpu.region"() ({
        %run_scoped3A = tpu.sem_alloc : memref<!tpu.dma_semaphore, #tpu.memory_space<semaphore_mem>>
        %dma_start3A = arith.constant 0 : i32
        %dma_start3A_58 = tpu.memref_slice %arg8[%add3A_36, %dma_start3A] : memref<20000x128xf32, #tpu.memory_space<hbm>> -> memref<200x128xf32, #tpu.memory_space<hbm>>
        %dma_start3A_59 = arith.constant 0 : i32
        %dma_start3A_60 = tpu.memref_slice %arg8[%add3A_36, %dma_start3A_59] : memref<20000x128xf32, #tpu.memory_space<hbm>> -> memref<200x128xf32, #tpu.memory_space<hbm>>
        tpu.enqueue_dma source(%arg13 : memref<200x128xf32, #tpu.memory_space<vmem>>) target(%dma_start3A_60 : memref<200x128xf32, #tpu.memory_space<hbm>>) target_semaphore(%run_scoped3A : memref<!tpu.dma_semaphore, #tpu.memory_space<semaphore_mem>>)
        %dma_wait3A = arith.constant 0 : i32
        %dma_wait3A_61 = tpu.memref_slice %arg8[%add3A_36, %dma_wait3A] : memref<20000x128xf32, #tpu.memory_space<hbm>> -> memref<200x128xf32, #tpu.memory_space<hbm>>
        %dma_wait3A_62 = arith.constant 0 : i32
        %dma_wait3A_63 = tpu.memref_slice %arg8[%add3A_36, %dma_wait3A_62] : memref<20000x128xf32, #tpu.memory_space<hbm>> -> memref<200x128xf32, #tpu.memory_space<hbm>>
        tpu.wait_dma2 semaphore(%run_scoped3A : memref<!tpu.dma_semaphore, #tpu.memory_space<semaphore_mem>>) src(%arg13 : memref<200x128xf32, #tpu.memory_space<vmem>>) dst(%dma_wait3A_63 : memref<200x128xf32, #tpu.memory_space<hbm>>)
        tpu.yield
      }) : () -> ()
      %mul3A_37 = arith.constant 1000 : i32
      %mul3A_38 = arith.muli %arg1, %mul3A_37 : i32
      %add3A_39 = arith.constant 600 : i32
      %add3A_40 = arith.addi %mul3A_38, %add3A_39 : i32
      "tpu.region"() ({
        %run_scoped3A = tpu.sem_alloc : memref<!tpu.dma_semaphore, #tpu.memory_space<semaphore_mem>>
        %dma_start3A = arith.constant 0 : i32
        %dma_start3A_58 = tpu.memref_slice %arg14[%add3A_40, %dma_start3A] : memref<10000x128xf32, #tpu.memory_space<vmem_shared>> -> memref<200x128xf32, #tpu.memory_space<vmem_shared>>
        %dma_start3A_59 = arith.constant 0 : i32
        %dma_start3A_60 = tpu.memref_slice %arg14[%add3A_40, %dma_start3A_59] : memref<10000x128xf32, #tpu.memory_space<vmem_shared>> -> memref<200x128xf32, #tpu.memory_space<vmem_shared>>
        tpu.enqueue_dma source(%dma_start3A_60 : memref<200x128xf32, #tpu.memory_space<vmem_shared>>) target(%arg13 : memref<200x128xf32, #tpu.memory_space<vmem>>) target_semaphore(%run_scoped3A : memref<!tpu.dma_semaphore, #tpu.memory_space<semaphore_mem>>)
        %dma_wait3A = arith.constant 0 : i32
        %dma_wait3A_61 = tpu.memref_slice %arg14[%add3A_40, %dma_wait3A] : memref<10000x128xf32, #tpu.memory_space<vmem_shared>> -> memref<200x128xf32, #tpu.memory_space<vmem_shared>>
        %dma_wait3A_62 = arith.constant 0 : i32
        %dma_wait3A_63 = tpu.memref_slice %arg14[%add3A_40, %dma_wait3A_62] : memref<10000x128xf32, #tpu.memory_space<vmem_shared>> -> memref<200x128xf32, #tpu.memory_space<vmem_shared>>
        tpu.wait_dma2 semaphore(%run_scoped3A : memref<!tpu.dma_semaphore, #tpu.memory_space<semaphore_mem>>) src(%dma_wait3A_63 : memref<200x128xf32, #tpu.memory_space<vmem_shared>>) dst(%arg13 : memref<200x128xf32, #tpu.memory_space<vmem>>)
        tpu.yield
      }) : () -> ()
      %mul3A_41 = arith.constant 10000 : i32
      %mul3A_42 = arith.muli %arg0, %mul3A_41 : i32
      %add3A_43 = arith.addi %mul3A_42, %add3A_40 : i32
      "tpu.region"() ({
        %run_scoped3A = tpu.sem_alloc : memref<!tpu.dma_semaphore, #tpu.memory_space<semaphore_mem>>
        %dma_start3A = arith.constant 0 : i32
        %dma_start3A_58 = tpu.memref_slice %arg8[%add3A_43, %dma_start3A] : memref<20000x128xf32, #tpu.memory_space<hbm>> -> memref<200x128xf32, #tpu.memory_space<hbm>>
        %dma_start3A_59 = arith.constant 0 : i32
        %dma_start3A_60 = tpu.memref_slice %arg8[%add3A_43, %dma_start3A_59] : memref<20000x128xf32, #tpu.memory_space<hbm>> -> memref<200x128xf32, #tpu.memory_space<hbm>>
        tpu.enqueue_dma source(%arg13 : memref<200x128xf32, #tpu.memory_space<vmem>>) target(%dma_start3A_60 : memref<200x128xf32, #tpu.memory_space<hbm>>) target_semaphore(%run_scoped3A : memref<!tpu.dma_semaphore, #tpu.memory_space<semaphore_mem>>)
        %dma_wait3A = arith.constant 0 : i32
        %dma_wait3A_61 = tpu.memref_slice %arg8[%add3A_43, %dma_wait3A] : memref<20000x128xf32, #tpu.memory_space<hbm>> -> memref<200x128xf32, #tpu.memory_space<hbm>>
        %dma_wait3A_62 = arith.constant 0 : i32
        %dma_wait3A_63 = tpu.memref_slice %arg8[%add3A_43, %dma_wait3A_62] : memref<20000x128xf32, #tpu.memory_space<hbm>> -> memref<200x128xf32, #tpu.memory_space<hbm>>
        tpu.wait_dma2 semaphore(%run_scoped3A : memref<!tpu.dma_semaphore, #tpu.memory_space<semaphore_mem>>) src(%arg13 : memref<200x128xf32, #tpu.memory_space<vmem>>) dst(%dma_wait3A_63 : memref<200x128xf32, #tpu.memory_space<hbm>>)
        tpu.yield
      }) : () -> ()
      %mul3A_44 = arith.constant 1000 : i32
      %mul3A_45 = arith.muli %arg1, %mul3A_44 : i32
      %add3A_46 = arith.constant 800 : i32
      %add3A_47 = arith.addi %mul3A_45, %add3A_46 : i32
      "tpu.region"() ({
        %run_scoped3A = tpu.sem_alloc : memref<!tpu.dma_semaphore, #tpu.memory_space<semaphore_mem>>
        %dma_start3A = arith.constant 0 : i32
        %dma_start3A_58 = tpu.memref_slice %arg14[%add3A_47, %dma_start3A] : memref<10000x128xf32, #tpu.memory_space<vmem_shared>> -> memref<200x128xf32, #tpu.memory_space<vmem_shared>>
        %dma_start3A_59 = arith.constant 0 : i32
        %dma_start3A_60 = tpu.memref_slice %arg14[%add3A_47, %dma_start3A_59] : memref<10000x128xf32, #tpu.memory_space<vmem_shared>> -> memref<200x128xf32, #tpu.memory_space<vmem_shared>>
        tpu.enqueue_dma source(%dma_start3A_60 : memref<200x128xf32, #tpu.memory_space<vmem_shared>>) target(%arg13 : memref<200x128xf32, #tpu.memory_space<vmem>>) target_semaphore(%run_scoped3A : memref<!tpu.dma_semaphore, #tpu.memory_space<semaphore_mem>>)
        %dma_wait3A = arith.constant 0 : i32
        %dma_wait3A_61 = tpu.memref_slice %arg14[%add3A_47, %dma_wait3A] : memref<10000x128xf32, #tpu.memory_space<vmem_shared>> -> memref<200x128xf32, #tpu.memory_space<vmem_shared>>
        %dma_wait3A_62 = arith.constant 0 : i32
        %dma_wait3A_63 = tpu.memref_slice %arg14[%add3A_47, %dma_wait3A_62] : memref<10000x128xf32, #tpu.memory_space<vmem_shared>> -> memref<200x128xf32, #tpu.memory_space<vmem_shared>>
        tpu.wait_dma2 semaphore(%run_scoped3A : memref<!tpu.dma_semaphore, #tpu.memory_space<semaphore_mem>>) src(%dma_wait3A_63 : memref<200x128xf32, #tpu.memory_space<vmem_shared>>) dst(%arg13 : memref<200x128xf32, #tpu.memory_space<vmem>>)
        tpu.yield
      }) : () -> ()
      %mul3A_48 = arith.constant 10000 : i32
      %mul3A_49 = arith.muli %arg0, %mul3A_48 : i32
      %add3A_50 = arith.addi %mul3A_49, %add3A_47 : i32
      "tpu.region"() ({
        %run_scoped3A = tpu.sem_alloc : memref<!tpu.dma_semaphore, #tpu.memory_space<semaphore_mem>>
        %dma_start3A = arith.constant 0 : i32
        %dma_start3A_58 = tpu.memref_slice %arg8[%add3A_50, %dma_start3A] : memref<20000x128xf32, #tpu.memory_space<hbm>> -> memref<200x128xf32, #tpu.memory_space<hbm>>
        %dma_start3A_59 = arith.constant 0 : i32
        %dma_start3A_60 = tpu.memref_slice %arg8[%add3A_50, %dma_start3A_59] : memref<20000x128xf32, #tpu.memory_space<hbm>> -> memref<200x128xf32, #tpu.memory_space<hbm>>
        tpu.enqueue_dma source(%arg13 : memref<200x128xf32, #tpu.memory_space<vmem>>) target(%dma_start3A_60 : memref<200x128xf32, #tpu.memory_space<hbm>>) target_semaphore(%run_scoped3A : memref<!tpu.dma_semaphore, #tpu.memory_space<semaphore_mem>>)
        %dma_wait3A = arith.constant 0 : i32
        %dma_wait3A_61 = tpu.memref_slice %arg8[%add3A_50, %dma_wait3A] : memref<20000x128xf32, #tpu.memory_space<hbm>> -> memref<200x128xf32, #tpu.memory_space<hbm>>
        %dma_wait3A_62 = arith.constant 0 : i32
        %dma_wait3A_63 = tpu.memref_slice %arg8[%add3A_50, %dma_wait3A_62] : memref<20000x128xf32, #tpu.memory_space<hbm>> -> memref<200x128xf32, #tpu.memory_space<hbm>>
        tpu.wait_dma2 semaphore(%run_scoped3A : memref<!tpu.dma_semaphore, #tpu.memory_space<semaphore_mem>>) src(%arg13 : memref<200x128xf32, #tpu.memory_space<vmem>>) dst(%dma_wait3A_63 : memref<200x128xf32, #tpu.memory_space<hbm>>)
        tpu.yield
      }) : () -> ()
      %mul3A_51 = arith.constant 1000 : i32
      %mul3A_52 = arith.muli %arg1, %mul3A_51 : i32
      "tpu.region"() ({
        %run_scoped3A = tpu.sem_alloc : memref<!tpu.dma_semaphore, #tpu.memory_space<semaphore_mem>>
        %dma_start3A = tpu.memref_slice %arg18[%mul3A_52] : memref<10000xf32, #tpu.memory_space<vmem_shared>> -> memref<1000xf32, #tpu.memory_space<vmem_shared>>
        %dma_start3A_58 = tpu.memref_slice %arg18[%mul3A_52] : memref<10000xf32, #tpu.memory_space<vmem_shared>> -> memref<1000xf32, #tpu.memory_space<vmem_shared>>
        tpu.enqueue_dma source(%dma_start3A_58 : memref<1000xf32, #tpu.memory_space<vmem_shared>>) target(%arg17 : memref<1000xf32, #tpu.memory_space<vmem>>) target_semaphore(%run_scoped3A : memref<!tpu.dma_semaphore, #tpu.memory_space<semaphore_mem>>)
        %dma_wait3A = tpu.memref_slice %arg18[%mul3A_52] : memref<10000xf32, #tpu.memory_space<vmem_shared>> -> memref<1000xf32, #tpu.memory_space<vmem_shared>>
        %dma_wait3A_59 = tpu.memref_slice %arg18[%mul3A_52] : memref<10000xf32, #tpu.memory_space<vmem_shared>> -> memref<1000xf32, #tpu.memory_space<vmem_shared>>
        tpu.wait_dma2 semaphore(%run_scoped3A : memref<!tpu.dma_semaphore, #tpu.memory_space<semaphore_mem>>) src(%dma_wait3A_59 : memref<1000xf32, #tpu.memory_space<vmem_shared>>) dst(%arg17 : memref<1000xf32, #tpu.memory_space<vmem>>)
        tpu.yield
      }) : () -> ()
      %mul3A_53 = arith.constant 10000 : i32
      %mul3A_54 = arith.muli %arg0, %mul3A_53 : i32
      %mul3A_55 = arith.constant 1000 : i32
      %mul3A_56 = arith.muli %arg1, %mul3A_55 : i32
      %add3A_57 = arith.addi %mul3A_54, %mul3A_56 : i32
      "tpu.region"() ({
        %run_scoped3A = tpu.sem_alloc : memref<!tpu.dma_semaphore, #tpu.memory_space<semaphore_mem>>
        %dma_start3A = tpu.memref_slice %arg9[%add3A_57] : memref<20000xf32, #tpu.memory_space<hbm>> -> memref<1000xf32, #tpu.memory_space<hbm>>
        %dma_start3A_58 = tpu.memref_slice %arg9[%add3A_57] : memref<20000xf32, #tpu.memory_space<hbm>> -> memref<1000xf32, #tpu.memory_space<hbm>>
        tpu.enqueue_dma source(%arg17 : memref<1000xf32, #tpu.memory_space<vmem>>) target(%dma_start3A_58 : memref<1000xf32, #tpu.memory_space<hbm>>) target_semaphore(%run_scoped3A : memref<!tpu.dma_semaphore, #tpu.memory_space<semaphore_mem>>)
        %dma_wait3A = tpu.memref_slice %arg9[%add3A_57] : memref<20000xf32, #tpu.memory_space<hbm>> -> memref<1000xf32, #tpu.memory_space<hbm>>
        %dma_wait3A_59 = tpu.memref_slice %arg9[%add3A_57] : memref<20000xf32, #tpu.memory_space<hbm>> -> memref<1000xf32, #tpu.memory_space<hbm>>
        tpu.wait_dma2 semaphore(%run_scoped3A : memref<!tpu.dma_semaphore, #tpu.memory_space<semaphore_mem>>) src(%arg17 : memref<1000xf32, #tpu.memory_space<vmem>>) dst(%dma_wait3A_59 : memref<1000xf32, #tpu.memory_space<hbm>>)
        tpu.yield
      }) : () -> ()
    } else {
    }
    return
  }
}

module attributes {stable_mosaic.version = 14 : i64} {
  func.func @_tc1_body(%arg0: i32, %arg1: memref<2x1000x1xf32, #tpu.memory_space<vmem>>, %arg2: memref<1000x128xf32, #tpu.memory_space<vmem>>, %arg3: memref<128x128xf32, #tpu.memory_space<vmem>>, %arg4: memref<1000x1xf32, #tpu.memory_space<vmem>>, %arg5: memref<1000x128xf32, #tpu.memory_space<vmem>>) attributes {dimension_semantics = [#tpu.dimension_semantics<arbitrary>], iteration_bounds = array<i64: 10>, scalar_prefetch = 0 : i64, scratch_operands = 0 : i64, tpu.core_type = #tpu.core_type<tc>, window_params = [{transform_indices = @transform_0, window_bounds = array<i64: 2, 1000, 1>}, {transform_indices = @transform_1, window_bounds = array<i64: 1000, 128>}, {pipeline_mode = #tpu.pipeline_mode<synchronous>, transform_indices = @transform_2, window_bounds = array<i64: 128, 128>}, {transform_indices = @transform_3, window_bounds = array<i64: 1000, 1>}, {transform_indices = @transform_4, window_bounds = array<i64: 1000, 128>}]} {
    %get3A = arith.constant 0 : index
    %get3A_0 = arith.constant 0 : index
    %get3A_1 = arith.constant 0 : index
    %get3A_2 = vector.load %arg1[%get3A, %get3A_0, %get3A_1] : memref<2x1000x1xf32, #tpu.memory_space<vmem>>, vector<1x1000x1xf32>
    %get3A_3 = vector.shape_cast %get3A_2 : vector<1x1000x1xf32> to vector<1000xf32>
    %get3A_4 = arith.constant 1 : index
    %get3A_5 = arith.constant 0 : index
    %get3A_6 = arith.constant 0 : index
    %get3A_7 = vector.load %arg1[%get3A_4, %get3A_5, %get3A_6] : memref<2x1000x1xf32, #tpu.memory_space<vmem>>, vector<1x1000x1xf32>
    %get3A_8 = vector.shape_cast %get3A_7 : vector<1x1000x1xf32> to vector<1000xf32>
    %add3A = arith.addf %get3A_3, %get3A_8 : vector<1000xf32>
    %add3A_9 = arith.constant 1.000000e+00 : f32
    %add3A_10 = vector.broadcast %add3A_9 : f32 to vector<1000xf32>
    %add3A_11 = arith.addf %add3A, %add3A_10 : vector<1000xf32>
    %rsqrt3A = math.rsqrt %add3A_11 : vector<1000xf32>
    %broadcast_in_dim3A = vector.shape_cast %rsqrt3A : vector<1000xf32> to vector<1000x1xf32>
    %swap3A = arith.constant 0 : index
    %swap3A_12 = arith.constant 0 : index
    %swap3A_13 = vector.load %arg4[%swap3A, %swap3A_12] : memref<1000x1xf32, #tpu.memory_space<vmem>>, vector<1000x1xf32>
    tpu.vector_store %arg4[%swap3A, %swap3A_12], %broadcast_in_dim3A {strides = array<i32>} : memref<1000x1xf32, #tpu.memory_space<vmem>>, vector<1000x1xf32>,
    %broadcast_in_dim3A_14 = vector.shape_cast %rsqrt3A : vector<1000xf32> to vector<1000x1xf32>
    %get3A_15 = arith.constant 0 : index
    %get3A_16 = arith.constant 0 : index
    %get3A_17 = vector.load %arg2[%get3A_15, %get3A_16] : memref<1000x128xf32, #tpu.memory_space<vmem>>, vector<1000x128xf32>
    %get3A_18 = arith.constant 0 : index
    %get3A_19 = arith.constant 0 : index
    %get3A_20 = vector.load %arg3[%get3A_18, %get3A_19] : memref<128x128xf32, #tpu.memory_space<vmem>>, vector<128x128xf32>
    %dot_general3A = arith.constant dense<0.000000e+00> : vector<1000x128xf32>
    %dot_general3A_21 = tpu.matmul %get3A_17, %get3A_20, %dot_general3A {dimension_numbers = #tpu.dot_dimension_numbers<[1], [0], [0], [1], [0, 0, 1, 1], [], []>, transpose_lhs_hint = false} : vector<1000x128xf32>, vector<128x128xf32>, vector<1000x128xf32> -> vector<1000x128xf32>
    %mul3A = vector.broadcast %broadcast_in_dim3A_14 : vector<1000x1xf32> to vector<1000x128xf32>
    %mul3A_22 = arith.mulf %mul3A, %dot_general3A_21 : vector<1000x128xf32>
    %swap3A_23 = arith.constant 0 : index
    %swap3A_24 = arith.constant 0 : index
    %swap3A_25 = vector.load %arg5[%swap3A_23, %swap3A_24] : memref<1000x128xf32, #tpu.memory_space<vmem>>, vector<1000x128xf32>
    tpu.vector_store %arg5[%swap3A_23, %swap3A_24], %mul3A_22 {strides = array<i32>} : memref<1000x128xf32, #tpu.memory_space<vmem>>, vector<1000x128xf32>,
    return
  }
  func.func @transform_0(%arg0: i32) -> (i32, i32, i32) {
    %c0_i32 = arith.constant 0 : i32
    %c0_i32_0 = arith.constant 0 : i32
    %c0_i32_1 = arith.constant 0 : i32
    return %c0_i32, %arg0, %c0_i32_0 : i32, i32, i32
  }
  func.func @transform_1(%arg0: i32) -> (i32, i32) {
    %c0_i32 = arith.constant 0 : i32
    %c0_i32_0 = arith.constant 0 : i32
    return %arg0, %c0_i32 : i32, i32
  }
  func.func @transform_2(%arg0: i32) -> (i32, i32) {
    %c0_i32 = arith.constant 0 : i32
    %c0_i32_0 = arith.constant 0 : i32
    %c0_i32_1 = arith.constant 0 : i32
    return %c0_i32, %c0_i32_0 : i32, i32
  }
  func.func @transform_3(%arg0: i32) -> (i32, i32) {
    %c0_i32 = arith.constant 0 : i32
    %c0_i32_0 = arith.constant 0 : i32
    return %arg0, %c0_i32 : i32, i32
  }
  func.func @transform_4(%arg0: i32) -> (i32, i32) {
    %c0_i32 = arith.constant 0 : i32
    %c0_i32_0 = arith.constant 0 : i32
    return %arg0, %c0_i32 : i32, i32
  }
}

module attributes {stable_mosaic.version = 14 : i64} {
  func.func @_tc2_body(%arg0: i32, %arg1: memref<2x1000x128xf32, #tpu.memory_space<vmem>>, %arg2: memref<1000x128xf32, #tpu.memory_space<vmem>>, %arg3: memref<1000x1xf32, #tpu.memory_space<vmem>>, %arg4: memref<128x128xf32, #tpu.memory_space<vmem>>, %arg5: memref<1x128xf32, #tpu.memory_space<vmem>>, %arg6: memref<1x128xf32, #tpu.memory_space<vmem>>, %arg7: memref<1x128xf32, #tpu.memory_space<vmem>>, %arg8: memref<1000x128xf32, #tpu.memory_space<vmem>>) attributes {dimension_semantics = [#tpu.dimension_semantics<arbitrary>], iteration_bounds = array<i64: 10>, scalar_prefetch = 0 : i64, scratch_operands = 0 : i64, tpu.core_type = #tpu.core_type<tc>, window_params = [{transform_indices = @transform_0, window_bounds = array<i64: 2, 1000, 128>}, {transform_indices = @transform_1, window_bounds = array<i64: 1000, 128>}, {transform_indices = @transform_2, window_bounds = array<i64: 1000, 1>}, {pipeline_mode = #tpu.pipeline_mode<synchronous>, transform_indices = @transform_3, window_bounds = array<i64: 128, 128>}, {pipeline_mode = #tpu.pipeline_mode<synchronous>, transform_indices = @transform_4, window_bounds = array<i64: 1, 128>}, {pipeline_mode = #tpu.pipeline_mode<synchronous>, transform_indices = @transform_5, window_bounds = array<i64: 1, 128>}, {pipeline_mode = #tpu.pipeline_mode<synchronous>, transform_indices = @transform_6, window_bounds = array<i64: 1, 128>}, {transform_indices = @transform_7, window_bounds = array<i64: 1000, 128>}]} {
    %get3A = arith.constant 0 : index
    %get3A_0 = arith.constant 0 : index
    %get3A_1 = vector.load %arg3[%get3A, %get3A_0] : memref<1000x1xf32, #tpu.memory_space<vmem>>, vector<1000x1xf32>
    %get3A_2 = arith.constant 0 : index
    %get3A_3 = arith.constant 0 : index
    %get3A_4 = arith.constant 0 : index
    %get3A_5 = vector.load %arg1[%get3A_2, %get3A_3, %get3A_4] : memref<2x1000x128xf32, #tpu.memory_space<vmem>>, vector<1x1000x128xf32>
    %get3A_6 = vector.shape_cast %get3A_5 : vector<1x1000x128xf32> to vector<1000x128xf32>
    %get3A_7 = arith.constant 1 : index
    %get3A_8 = arith.constant 0 : index
    %get3A_9 = arith.constant 0 : index
    %get3A_10 = vector.load %arg1[%get3A_7, %get3A_8, %get3A_9] : memref<2x1000x128xf32, #tpu.memory_space<vmem>>, vector<1x1000x128xf32>
    %get3A_11 = vector.shape_cast %get3A_10 : vector<1x1000x128xf32> to vector<1000x128xf32>
    %add3A = arith.addf %get3A_6, %get3A_11 : vector<1000x128xf32>
    %get3A_12 = arith.constant 0 : index
    %get3A_13 = arith.constant 0 : index
    %get3A_14 = vector.load %arg2[%get3A_12, %get3A_13] : memref<1000x128xf32, #tpu.memory_space<vmem>>, vector<1000x128xf32>
    %add3A_15 = arith.addf %add3A, %get3A_14 : vector<1000x128xf32>
    %get3A_16 = arith.constant 0 : index
    %get3A_17 = arith.constant 0 : index
    %get3A_18 = vector.load %arg6[%get3A_16, %get3A_17] : memref<1x128xf32, #tpu.memory_space<vmem>>, vector<1x128xf32>
    %sqrt3A = arith.constant 1.000010e+00 : f32
    %sqrt3A_19 = math.sqrt %sqrt3A : f32
    %div3A = arith.constant 1.000000e+00 : f32
    %div3A_20 = arith.divf %div3A, %sqrt3A_19 : f32
    %mul3A = vector.broadcast %div3A_20 : f32 to vector<1x128xf32>
    %mul3A_21 = arith.mulf %get3A_18, %mul3A : vector<1x128xf32>
    %mul3A_22 = vector.broadcast %get3A_1 : vector<1000x1xf32> to vector<1000x128xf32>
    %mul3A_23 = arith.mulf %mul3A_22, %add3A_15 : vector<1000x128xf32>
    %get3A_24 = arith.constant 0 : index
    %get3A_25 = arith.constant 0 : index
    %get3A_26 = vector.load %arg5[%get3A_24, %get3A_25] : memref<1x128xf32, #tpu.memory_space<vmem>>, vector<1x128xf32>
    %add3A_27 = vector.broadcast %get3A_26 : vector<1x128xf32> to vector<1000x128xf32>
    %add3A_28 = arith.addf %mul3A_23, %add3A_27 : vector<1000x128xf32>
    %mul3A_29 = vector.broadcast %mul3A_21 : vector<1x128xf32> to vector<1000x128xf32>
    %mul3A_30 = arith.mulf %add3A_28, %mul3A_29 : vector<1000x128xf32>
    %get3A_31 = arith.constant 0 : index
    %get3A_32 = arith.constant 0 : index
    %get3A_33 = vector.load %arg7[%get3A_31, %get3A_32] : memref<1x128xf32, #tpu.memory_space<vmem>>, vector<1x128xf32>
    %add3A_34 = vector.broadcast %get3A_33 : vector<1x128xf32> to vector<1000x128xf32>
    %add3A_35 = arith.addf %mul3A_30, %add3A_34 : vector<1000x128xf32>
    %max3A = arith.constant 0.000000e+00 : f32
    %max3A_36 = vector.broadcast %max3A : f32 to vector<1000x128xf32>
    %max3A_37 = arith.maximumf %add3A_35, %max3A_36 : vector<1000x128xf32>
    %get3A_38 = arith.constant 0 : index
    %get3A_39 = arith.constant 0 : index
    %get3A_40 = vector.load %arg4[%get3A_38, %get3A_39] : memref<128x128xf32, #tpu.memory_space<vmem>>, vector<128x128xf32>
    %dot_general3A = arith.constant dense<0.000000e+00> : vector<1000x128xf32>
    %dot_general3A_41 = tpu.matmul %max3A_37, %get3A_40, %dot_general3A {dimension_numbers = #tpu.dot_dimension_numbers<[1], [0], [0], [1], [0, 0, 1, 1], [], []>, transpose_lhs_hint = false} : vector<1000x128xf32>, vector<128x128xf32>, vector<1000x128xf32> -> vector<1000x128xf32>
    %mul3A_42 = vector.broadcast %get3A_1 : vector<1000x1xf32> to vector<1000x128xf32>
    %mul3A_43 = arith.mulf %mul3A_42, %dot_general3A_41 : vector<1000x128xf32>
    %swap3A = arith.constant 0 : index
    %swap3A_44 = arith.constant 0 : index
    %swap3A_45 = vector.load %arg8[%swap3A, %swap3A_44] : memref<1000x128xf32, #tpu.memory_space<vmem>>, vector<1000x128xf32>
    tpu.vector_store %arg8[%swap3A, %swap3A_44], %mul3A_43 {strides = array<i32>} : memref<1000x128xf32, #tpu.memory_space<vmem>>, vector<1000x128xf32>,
    return
  }
  func.func @transform_0(%arg0: i32) -> (i32, i32, i32) {
    %c0_i32 = arith.constant 0 : i32
    %c0_i32_0 = arith.constant 0 : i32
    %c0_i32_1 = arith.constant 0 : i32
    return %c0_i32, %arg0, %c0_i32_0 : i32, i32, i32
  }
  func.func @transform_1(%arg0: i32) -> (i32, i32) {
    %c0_i32 = arith.constant 0 : i32
    %c0_i32_0 = arith.constant 0 : i32
    return %arg0, %c0_i32 : i32, i32
  }
  func.func @transform_2(%arg0: i32) -> (i32, i32) {
    %c0_i32 = arith.constant 0 : i32
    %c0_i32_0 = arith.constant 0 : i32
    return %arg0, %c0_i32 : i32, i32
  }
  func.func @transform_3(%arg0: i32) -> (i32, i32) {
    %c0_i32 = arith.constant 0 : i32
    %c0_i32_0 = arith.constant 0 : i32
    %c0_i32_1 = arith.constant 0 : i32
    return %c0_i32, %c0_i32_0 : i32, i32
  }
  func.func @transform_4(%arg0: i32) -> (i32, i32) {
    %c0_i32 = arith.constant 0 : i32
    %c0_i32_0 = arith.constant 0 : i32
    %c0_i32_1 = arith.constant 0 : i32
    return %c0_i32, %c0_i32_0 : i32, i32
  }
  func.func @transform_5(%arg0: i32) -> (i32, i32) {
    %c0_i32 = arith.constant 0 : i32
    %c0_i32_0 = arith.constant 0 : i32
    %c0_i32_1 = arith.constant 0 : i32
    return %c0_i32, %c0_i32_0 : i32, i32
  }
  func.func @transform_6(%arg0: i32) -> (i32, i32) {
    %c0_i32 = arith.constant 0 : i32
    %c0_i32_0 = arith.constant 0 : i32
    %c0_i32_1 = arith.constant 0 : i32
    return %c0_i32, %c0_i32_0 : i32, i32
  }
  func.func @transform_7(%arg0: i32) -> (i32, i32) {
    %c0_i32 = arith.constant 0 : i32
    %c0_i32_0 = arith.constant 0 : i32
    return %arg0, %c0_i32 : i32, i32
  }
}

module attributes {stable_mosaic.version = 14 : i64} {
  func.func @_tc3_body(%arg0: i32, %arg1: memref<2x1000x128xf32, #tpu.memory_space<vmem>>, %arg2: memref<1000x128xf32, #tpu.memory_space<vmem>>, %arg3: memref<1000x1xf32, #tpu.memory_space<vmem>>, %arg4: memref<2x1000x1xf32, #tpu.memory_space<vmem>>, %arg5: memref<128x64xf32, #tpu.memory_space<vmem>>, %arg6: memref<1x128xf32, #tpu.memory_space<vmem>>, %arg7: memref<1x128xf32, #tpu.memory_space<vmem>>, %arg8: memref<1x128xf32, #tpu.memory_space<vmem>>, %arg9: memref<1x64xf32, #tpu.memory_space<vmem>>, %arg10: memref<1x64xf32, #tpu.memory_space<vmem>>, %arg11: memref<1x128xf32, #tpu.memory_space<vmem>>) attributes {dimension_semantics = [#tpu.dimension_semantics<arbitrary>], iteration_bounds = array<i64: 10>, scalar_prefetch = 0 : i64, scratch_operands = 1 : i64, tpu.core_type = #tpu.core_type<tc>, window_params = [{transform_indices = @transform_0, window_bounds = array<i64: 2, 1000, 128>}, {transform_indices = @transform_1, window_bounds = array<i64: 1000, 128>}, {transform_indices = @transform_2, window_bounds = array<i64: 1000, 1>}, {transform_indices = @transform_3, window_bounds = array<i64: 2, 1000, 1>}, {pipeline_mode = #tpu.pipeline_mode<synchronous>, transform_indices = @transform_4, window_bounds = array<i64: 128, 64>}, {pipeline_mode = #tpu.pipeline_mode<synchronous>, transform_indices = @transform_5, window_bounds = array<i64: 1, 128>}, {pipeline_mode = #tpu.pipeline_mode<synchronous>, transform_indices = @transform_6, window_bounds = array<i64: 1, 128>}, {pipeline_mode = #tpu.pipeline_mode<synchronous>, transform_indices = @transform_7, window_bounds = array<i64: 1, 128>}, {pipeline_mode = #tpu.pipeline_mode<synchronous>, transform_indices = @transform_8, window_bounds = array<i64: 1, 64>}, {pipeline_mode = #tpu.pipeline_mode<synchronous>, transform_indices = @transform_9, window_bounds = array<i64: 1, 64>}]} {
    %get3A = arith.constant 0 : index
    %get3A_0 = arith.constant 0 : index
    %get3A_1 = vector.load %arg3[%get3A, %get3A_0] : memref<1000x1xf32, #tpu.memory_space<vmem>>, vector<1000x1xf32>
    %get3A_2 = arith.constant 0 : index
    %get3A_3 = arith.constant 0 : index
    %get3A_4 = arith.constant 0 : index
    %get3A_5 = vector.load %arg1[%get3A_2, %get3A_3, %get3A_4] : memref<2x1000x128xf32, #tpu.memory_space<vmem>>, vector<1x1000x128xf32>
    %get3A_6 = vector.shape_cast %get3A_5 : vector<1x1000x128xf32> to vector<1000x128xf32>
    %get3A_7 = arith.constant 1 : index
    %get3A_8 = arith.constant 0 : index
    %get3A_9 = arith.constant 0 : index
    %get3A_10 = vector.load %arg1[%get3A_7, %get3A_8, %get3A_9] : memref<2x1000x128xf32, #tpu.memory_space<vmem>>, vector<1x1000x128xf32>
    %get3A_11 = vector.shape_cast %get3A_10 : vector<1x1000x128xf32> to vector<1000x128xf32>
    %add3A = arith.addf %get3A_6, %get3A_11 : vector<1000x128xf32>
    %get3A_12 = arith.constant 0 : index
    %get3A_13 = arith.constant 0 : index
    %get3A_14 = vector.load %arg2[%get3A_12, %get3A_13] : memref<1000x128xf32, #tpu.memory_space<vmem>>, vector<1000x128xf32>
    %add3A_15 = arith.addf %add3A, %get3A_14 : vector<1000x128xf32>
    %get3A_16 = arith.constant 0 : index
    %get3A_17 = arith.constant 0 : index
    %get3A_18 = vector.load %arg7[%get3A_16, %get3A_17] : memref<1x128xf32, #tpu.memory_space<vmem>>, vector<1x128xf32>
    %sqrt3A = arith.constant 1.000010e+00 : f32
    %sqrt3A_19 = math.sqrt %sqrt3A : f32
    %div3A = arith.constant 1.000000e+00 : f32
    %div3A_20 = arith.divf %div3A, %sqrt3A_19 : f32
    %mul3A = vector.broadcast %div3A_20 : f32 to vector<1x128xf32>
    %mul3A_21 = arith.mulf %get3A_18, %mul3A : vector<1x128xf32>
    %mul3A_22 = vector.broadcast %get3A_1 : vector<1000x1xf32> to vector<1000x128xf32>
    %mul3A_23 = arith.mulf %mul3A_22, %add3A_15 : vector<1000x128xf32>
    %get3A_24 = arith.constant 0 : index
    %get3A_25 = arith.constant 0 : index
    %get3A_26 = vector.load %arg6[%get3A_24, %get3A_25] : memref<1x128xf32, #tpu.memory_space<vmem>>, vector<1x128xf32>
    %add3A_27 = vector.broadcast %get3A_26 : vector<1x128xf32> to vector<1000x128xf32>
    %add3A_28 = arith.addf %mul3A_23, %add3A_27 : vector<1000x128xf32>
    %mul3A_29 = vector.broadcast %mul3A_21 : vector<1x128xf32> to vector<1000x128xf32>
    %mul3A_30 = arith.mulf %add3A_28, %mul3A_29 : vector<1000x128xf32>
    %get3A_31 = arith.constant 0 : index
    %get3A_32 = arith.constant 0 : index
    %get3A_33 = vector.load %arg8[%get3A_31, %get3A_32] : memref<1x128xf32, #tpu.memory_space<vmem>>, vector<1x128xf32>
    %add3A_34 = vector.broadcast %get3A_33 : vector<1x128xf32> to vector<1000x128xf32>
    %add3A_35 = arith.addf %mul3A_30, %add3A_34 : vector<1000x128xf32>
    %max3A = arith.constant 0.000000e+00 : f32
    %max3A_36 = vector.broadcast %max3A : f32 to vector<1000x128xf32>
    %max3A_37 = arith.maximumf %add3A_35, %max3A_36 : vector<1000x128xf32>
    %get3A_38 = arith.constant 0 : index
    %get3A_39 = arith.constant 0 : index
    %get3A_40 = arith.constant 0 : index
    %get3A_41 = vector.load %arg4[%get3A_38, %get3A_39, %get3A_40] : memref<2x1000x1xf32, #tpu.memory_space<vmem>>, vector<1x1000x1xf32>
    %get3A_42 = vector.shape_cast %get3A_41 : vector<1x1000x1xf32> to vector<1000xf32>
    %get3A_43 = arith.constant 1 : index
    %get3A_44 = arith.constant 0 : index
    %get3A_45 = arith.constant 0 : index
    %get3A_46 = vector.load %arg4[%get3A_43, %get3A_44, %get3A_45] : memref<2x1000x1xf32, #tpu.memory_space<vmem>>, vector<1x1000x1xf32>
    %get3A_47 = vector.shape_cast %get3A_46 : vector<1x1000x1xf32> to vector<1000xf32>
    %add3A_48 = arith.addf %get3A_42, %get3A_47 : vector<1000xf32>
    %squeeze3A = vector.shape_cast %get3A_1 : vector<1000x1xf32> to vector<1000xf32>
    %squeeze3A_49 = vector.shape_cast %get3A_1 : vector<1000x1xf32> to vector<1000xf32>
    %add3A_50 = arith.addf %squeeze3A_49, %add3A_48 : vector<1000xf32>
    %mul3A_51 = arith.mulf %squeeze3A, %add3A_50 : vector<1000xf32>
    %broadcast_in_dim3A = vector.shape_cast %mul3A_51 : vector<1000xf32> to vector<1x1000xf32>
    %dot_general3A = arith.constant dense<0.000000e+00> : vector<1x128xf32>
    %dot_general3A_52 = tpu.matmul %broadcast_in_dim3A, %max3A_37, %dot_general3A {dimension_numbers = #tpu.dot_dimension_numbers<[1], [0], [0], [1], [0, 0, 1, 1], [], []>, transpose_lhs_hint = false} : vector<1x1000xf32>, vector<1000x128xf32>, vector<1x128xf32> -> vector<1x128xf32>
    %eq3A = arith.constant 0 : i32
    %eq3A_53 = arith.cmpi eq, %arg0, %eq3A : i32
    %convert_element_type3A = arith.extui %eq3A_53 : i1 to i32
    %cond3A = arith.constant 0 : i32
    %cond3A_54 = arith.cmpi ne, %convert_element_type3A, %cond3A : i32
    scf.if %cond3A_54 {
      %broadcast_in_dim3A_66 = arith.constant 0.000000e+00 : f32
      %broadcast_in_dim3A_67 = vector.broadcast %broadcast_in_dim3A_66 : f32 to vector<1x128xf32>
      %swap3A_68 = arith.constant 0 : index
      %swap3A_69 = arith.constant 0 : index
      %swap3A_70 = vector.load %arg11[%swap3A_68, %swap3A_69] : memref<1x128xf32, #tpu.memory_space<vmem>>, vector<1x128xf32>
      tpu.vector_store %arg11[%swap3A_68, %swap3A_69], %broadcast_in_dim3A_67 {strides = array<i32>} : memref<1x128xf32, #tpu.memory_space<vmem>>, vector<1x128xf32>,
    } else {
    }
    %get3A_55 = arith.constant 0 : index
    %get3A_56 = arith.constant 0 : index
    %get3A_57 = vector.load %arg11[%get3A_55, %get3A_56] : memref<1x128xf32, #tpu.memory_space<vmem>>, vector<1x128xf32>
    %add3A_58 = arith.addf %get3A_57, %dot_general3A_52 : vector<1x128xf32>
    %swap3A = arith.constant 0 : index
    %swap3A_59 = arith.constant 0 : index
    %swap3A_60 = vector.load %arg11[%swap3A, %swap3A_59] : memref<1x128xf32, #tpu.memory_space<vmem>>, vector<1x128xf32>
    tpu.vector_store %arg11[%swap3A, %swap3A_59], %add3A_58 {strides = array<i32>} : memref<1x128xf32, #tpu.memory_space<vmem>>, vector<1x128xf32>,
    %eq3A_61 = arith.constant 9 : i32
    %eq3A_62 = arith.cmpi eq, %arg0, %eq3A_61 : i32
    %convert_element_type3A_63 = arith.extui %eq3A_62 : i1 to i32
    %cond3A_64 = arith.constant 0 : i32
    %cond3A_65 = arith.cmpi ne, %convert_element_type3A_63, %cond3A_64 : i32
    scf.if %cond3A_65 {
      %get3A_66 = arith.constant 0 : index
      %get3A_67 = arith.constant 0 : index
      %get3A_68 = vector.load %arg11[%get3A_66, %get3A_67] : memref<1x128xf32, #tpu.memory_space<vmem>>, vector<1x128xf32>
      %get3A_69 = arith.constant 0 : index
      %get3A_70 = arith.constant 0 : index
      %get3A_71 = vector.load %arg5[%get3A_69, %get3A_70] : memref<128x64xf32, #tpu.memory_space<vmem>>, vector<128x64xf32>
      %dot_general3A_72 = arith.constant dense<0.000000e+00> : vector<1x64xf32>
      %dot_general3A_73 = tpu.matmul %get3A_68, %get3A_71, %dot_general3A_72 {dimension_numbers = #tpu.dot_dimension_numbers<[1], [0], [0], [1], [0, 0, 1, 1], [], []>, transpose_lhs_hint = false} : vector<1x128xf32>, vector<128x64xf32>, vector<1x64xf32> -> vector<1x64xf32>
      %div3A_74 = arith.constant 1.000000e+04 : f32
      %div3A_75 = vector.broadcast %div3A_74 : f32 to vector<1x64xf32>
      %div3A_76 = arith.divf %dot_general3A_73, %div3A_75 : vector<1x64xf32>
      %get3A_77 = arith.constant 0 : index
      %get3A_78 = arith.constant 0 : index
      %get3A_79 = vector.load %arg9[%get3A_77, %get3A_78] : memref<1x64xf32, #tpu.memory_space<vmem>>, vector<1x64xf32>
      %add3A_80 = arith.addf %div3A_76, %get3A_79 : vector<1x64xf32>
      %swap3A_81 = arith.constant 0 : index
      %swap3A_82 = arith.constant 0 : index
      %swap3A_83 = vector.load %arg10[%swap3A_81, %swap3A_82] : memref<1x64xf32, #tpu.memory_space<vmem>>, vector<1x64xf32>
      tpu.vector_store %arg10[%swap3A_81, %swap3A_82], %add3A_80 {strides = array<i32>} : memref<1x64xf32, #tpu.memory_space<vmem>>, vector<1x64xf32>,
    } else {
    }
    return
  }
  func.func @transform_0(%arg0: i32) -> (i32, i32, i32) {
    %c0_i32 = arith.constant 0 : i32
    %c0_i32_0 = arith.constant 0 : i32
    %c0_i32_1 = arith.constant 0 : i32
    return %c0_i32, %arg0, %c0_i32_0 : i32, i32, i32
  }
  func.func @transform_1(%arg0: i32) -> (i32, i32) {
    %c0_i32 = arith.constant 0 : i32
    %c0_i32_0 = arith.constant 0 : i32
    return %arg0, %c0_i32 : i32, i32
  }
  func.func @transform_2(%arg0: i32) -> (i32, i32) {
    %c0_i32 = arith.constant 0 : i32
    %c0_i32_0 = arith.constant 0 : i32
    return %arg0, %c0_i32 : i32, i32
  }
  func.func @transform_3(%arg0: i32) -> (i32, i32, i32) {
    %c0_i32 = arith.constant 0 : i32
    %c0_i32_0 = arith.constant 0 : i32
    %c0_i32_1 = arith.constant 0 : i32
    return %c0_i32, %arg0, %c0_i32_0 : i32, i32, i32
  }
  func.func @transform_4(%arg0: i32) -> (i32, i32) {
    %c0_i32 = arith.constant 0 : i32
    %c0_i32_0 = arith.constant 0 : i32
    %c0_i32_1 = arith.constant 0 : i32
    return %c0_i32, %c0_i32_0 : i32, i32
  }
  func.func @transform_5(%arg0: i32) -> (i32, i32) {
    %c0_i32 = arith.constant 0 : i32
    %c0_i32_0 = arith.constant 0 : i32
    %c0_i32_1 = arith.constant 0 : i32
    return %c0_i32, %c0_i32_0 : i32, i32
  }
  func.func @transform_6(%arg0: i32) -> (i32, i32) {
    %c0_i32 = arith.constant 0 : i32
    %c0_i32_0 = arith.constant 0 : i32
    %c0_i32_1 = arith.constant 0 : i32
    return %c0_i32, %c0_i32_0 : i32, i32
  }
  func.func @transform_7(%arg0: i32) -> (i32, i32) {
    %c0_i32 = arith.constant 0 : i32
    %c0_i32_0 = arith.constant 0 : i32
    %c0_i32_1 = arith.constant 0 : i32
    return %c0_i32, %c0_i32_0 : i32, i32
  }
  func.func @transform_8(%arg0: i32) -> (i32, i32) {
    %c0_i32 = arith.constant 0 : i32
    %c0_i32_0 = arith.constant 0 : i32
    %c0_i32_1 = arith.constant 0 : i32
    return %c0_i32, %c0_i32_0 : i32, i32
  }
  func.func @transform_9(%arg0: i32) -> (i32, i32) {
    %c0_i32 = arith.constant 0 : i32
    %c0_i32_0 = arith.constant 0 : i32
    %c0_i32_1 = arith.constant 0 : i32
    return %c0_i32, %c0_i32_0 : i32, i32
  }
}

</mosaic_0001>

<sc_bundles>
// kernel: kernel.11.cloned.1.call-start
scs
__scs_entry_jumppad:
0x0: {  	(pc) =	sbr.rel $0x88, $3  }
0x1: {  	(tag) =	ssettag $0x0;
	lr =	simm.s32 $0x1  }
0x2: {  	[smem:$0x3F95] =	sst lr;
	_ =	strace $0xD0000000  }
0x3: {  	_ = 	snop  }
0x4: {  	_ = 	snop  }
0x5: {  	_ = 	snop  }
0x6: {  	_ = 	snop  }
0x7: {  	_ = 	snop  }
__scs_overlays_trampoline_lowered:
0x8: {  	[smem:$0x3FA4] =	sst s0  }
0x9: {  	[smem:$0x3FA5] =	sst s1  }
0xa: {  	[smem:$0x3FA6] =	sst s2  }
0xb: {  	[smem:$0x3FA7] =	sst s3  }
0xc: {  	[smem:$0x3FA8] =	sst s4  }
0xd: {  	[smem:$0x3FA9] =	sst s5  }
0xe: {  	[smem:$0x3FAA] =	sst s6  }
0xf: {  	[smem:$0x3FAB] =	sst s7  }
0x10: {  	[smem:$0x3FAC] =	sst s8  }
0x11: {  	[smem:$0x3FAD] =	sst s9;
	s0 =	simm.s32 @!p0 $0x0  }
0x12: {  	s1 =	sld [smem:$0x3F93];
	s0 =	simm.s32 @p0 $0x1  }
0x13: {  	[smem:$0x3FAE] =	sst s0;
	s0 =	simm.s32 @!p1 $0x0  }
0x14: {  	s2 =	sld [smem:$0x3F92];
	s0 =	simm.s32 @p1 $0x1  }
0x15: {  	[smem:$0x3FAF] =	sst s0;
	s0 =	simm.s32 @!p2 $0x0  }
0x16: {  	s3 =	sld [smem:$0x3FDB];
	s0 =	simm.s32 @p2 $0x1  }
0x17: {  	s4 =	simm.s32 $0x1BF5;
	[smem:$0x3FB1] =	sst s0  }
0x18: {  	s0 =	sld [smem:$0x3F94];
	_ =	swait.ge [sflag:s4], $0x0  }
0x19: {  	s7 =	sld [smem:$0x3F95]  }
0x1a: {  	s8 =	sadd.s32 $0xFFFFE003, lr  }
0x1b: {  	s9 =	sadd.s32 $0xFFFFFEF7, lr;
	s5 =	simm.s32 $0xFFFFFFFF;
	p2 =	slt.u32 s8, $0xFFFFF086  }
0x1c: {  	p1 =	slt.u32 s9, $0xF7A;
	s5 =	simm.s32 @!p2 $0x0  }
0x1d: {  	s5 =	simm.s32 @p1 $0x1;
	p0 =	seq.s32 s7, s2  }
0x1e: {  	s7 =	smul.u32 @!p0 $0xF7A, s2;
	p2 =	seq.s32 @!p0 s5, $0x0  }
0x1f: {  	s9 =	smul.u32 $0xF7A, s1;
	s8 =	simm.s32 @!p0 $0x1BF5;
	p2 =	por !p2, p0  }
0x20: {  	[sflag:s8] =	ssyncset.s32 @!p0 $0xFFFFF086;
	s6 =	sadd.s32 @!p0 s3, s7;
	s7 =	simm.s32 @!p0 $0x108  }
0x21: {  	s3 =	sadd.s32 s3, s9;
	s6 =	sadd.s32 @!p0 $0x88, s6;
	s7 =	simm.s32 @p2 $0x1082  }
0x22: {  	[simem:s7], [sflag:s8] =	dma.local @!p0 [hbm:s6], $0xF7A  }
0x23: {  	s9 =	sor.u32 $0xD0000000, s2;
	s6 =	simm.s32 $0x108;
	_ =	swait.ge @!p0 [sflag:s8], $0x0  }
0x24: {  	s3 =	sadd.s32 $0x88, s3;
	s6 =	simm.s32 @!p1 $0x1082;
	[sflag:s4] =	ssyncset.s32 $0xFFFFF086  }
0x25: {  	[simem:s6], [sflag:s4] =	dma.local [hbm:s3], $0xF7A  }
0x26: {  	[smem:$0x3F95] =	sst s1;
	(tag) =	ssettag s2;
	_ =	strace s9  }
0x27: {  	s1 =	sld [smem:$0x3FA5]  }
0x28: {  	s2 =	sld [smem:$0x3FA6]  }
0x29: {  	s4 =	sld [smem:$0x3FA8]  }
0x2a: {  	p0 =	seq.s32 s5, $0x0;
	s5 =	sld [smem:$0x3FA9]  }
0x2b: {  	s6 =	sld [smem:$0x3FAA]  }
0x2c: {  	s7 =	sld [smem:$0x3FAB]  }
0x2d: {  	s3 =	simm.s32 $0x108;
	s8 =	sld [smem:$0x3FAC]  }
0x2e: {  	s3 =	simm.s32 @!p0 $0x1082;
	s9 =	sld [smem:$0x3FAD]  }
0x2f: {  	lr =	sadd.s32 s0, s3;
	s0 =	sld [smem:$0x3FA4]  }
0x30: {  	s3 =	sld [smem:$0x3FA7]  }
0x31: {  	[smem:$0x3FB0] =	sst s10  }
0x32: {  	s10 =	sld [smem:$0x3FAE];
	_ =	sdelay $0x3  }
0x33: {  	p0 =	seq.s32 s10, $0x1;
	s10 =	sld [smem:$0x3FB0];
	_ =	sdelay $0x3  }
0x34: {  	[smem:$0x3FB0] =	sst s10  }
0x35: {  	s10 =	sld [smem:$0x3FAF];
	_ =	sdelay $0x3  }
0x36: {  	p1 =	seq.s32 s10, $0x1;
	s10 =	sld [smem:$0x3FB0];
	_ =	sdelay $0x3  }
0x37: {  	[smem:$0x3FB0] =	sst s10  }
0x38: {  	s10 =	sld [smem:$0x3FB1]  }
0x39: {  	_ = 	snop;
	(pc) =	sbr.ind lr, $3  }
0x3a: {  	_ = 	snop  }
0x3b: {  	_ = 	snop  }
0x3c: {  	p2 =	seq.s32 s10, $0x1;
	s10 =	sld [smem:$0x3FB0]  }
0x3d: {  	_ =	shalt  }
0x3e: {  	_ =	shalt  }
0x3f: {  	_ =	shalt  }
0x40: {  	_ =	shalt  }
0x41: {  	_ =	shalt  }
0x42: {  	_ =	shalt  }
0x43: {  	_ =	shalt  }
0x44: {  	_ =	shalt  }
0x45: {  	_ =	shalt  }
0x46: {  	_ =	shalt  }
0x47: {  	_ =	shalt  }
0x48: {  	_ =	shalt  }
0x49: {  	_ =	shalt  }
0x4a: {  	_ =	shalt  }
0x4b: {  	_ =	shalt  }
0x4c: {  	_ =	shalt  }
0x4d: {  	_ =	shalt  }
0x4e: {  	_ =	shalt  }
0x4f: {  	_ =	shalt  }
0x50: {  	_ =	shalt  }
0x51: {  	_ =	shalt  }
0x52: {  	_ =	shalt  }
0x53: {  	_ =	shalt  }
0x54: {  	_ =	shalt  }
0x55: {  	_ =	shalt  }
0x56: {  	_ =	shalt  }
0x57: {  	_ =	shalt  }
0x58: {  	_ =	shalt  }
0x59: {  	_ =	shalt  }
0x5a: {  	_ =	shalt  }
0x5b: {  	_ =	shalt  }
0x5c: {  	_ =	shalt  }
0x5d: {  	_ =	shalt  }
0x5e: {  	_ =	shalt  }
0x5f: {  	_ =	shalt  }
0x60: {  	_ =	shalt  }
0x61: {  	_ =	shalt  }
0x62: {  	_ =	shalt  }
0x63: {  	_ =	shalt  }
0x64: {  	_ =	shalt  }
0x65: {  	_ =	shalt  }
0x66: {  	_ =	shalt  }
0x67: {  	_ =	shalt  }
0x68: {  	_ =	shalt  }
0x69: {  	_ =	shalt  }
0x6a: {  	_ =	shalt  }
0x6b: {  	_ =	shalt  }
0x6c: {  	_ =	shalt  }
0x6d: {  	_ =	shalt  }
0x6e: {  	_ =	shalt  }
0x6f: {  	_ =	shalt  }
0x70: {  	_ =	shalt  }
0x71: {  	_ =	shalt  }
0x72: {  	_ =	shalt  }
0x73: {  	_ =	shalt  }
0x74: {  	_ =	shalt  }
0x75: {  	_ =	shalt  }
0x76: {  	_ =	shalt  }
0x77: {  	_ =	shalt  }
0x78: {  	_ =	shalt  }
0x79: {  	_ =	shalt  }
0x7a: {  	_ =	shalt  }
0x7b: {  	_ =	shalt  }
0x7c: {  	_ =	shalt  }
0x7d: {  	_ =	shalt  }
0x7e: {  	_ =	shalt  }
0x7f: {  	_ =	shalt  }
0x80: {  	_ =	shalt  }
0x81: {  	_ =	shalt  }
0x82: {  	_ =	shalt  }
0x83: {  	_ =	shalt  }
0x84: {  	_ =	shalt  }
0x85: {  	_ =	shalt  }
0x86: {  	_ =	shalt  }
0x87: {  	_ =	shalt  }
.Lfunc_end0:
.L_simem_size_0:
called_computation.1_lowered:
.L_overlay_start_0:
0x88: {  	s2 =	sld [smem:$0x3FD9]  }
0x89: {  	s3 =	sld [smem:$0x3FFE];
	_ =	sdelay $0x1  }
0x8a: {  	s1 =	srdreg.scid  }
0x8b: {  	s0 =	sand.u32 $0x1, s1  }
0x8c: {  	s16 =	sshll.u32 s0, $0xA;
	s2 =	sadd.s32 s3, s2  }
0x8d: {  	s2 =	sadd.s32 s2, s16  }
0x8e: {  	[smem:$0x3FBC] =	sst s2  }
0x8f: {  	_ = 	snop  }
0x90: {  	(tm) =	ssettm $0x1  }
0x91: {  	s17 =	sld [smem:$0x3FFB];
	_ =	sdelay $0x3  }
0x92: {  	_ =	strace s17  }
0x93: {  	s2 =	sld [smem:$0x3FFC];
	_ =	sdelay $0x3  }
0x94: {  	_ =	strace s2  }
0x95: {  	s2 =	sld [smem:$0x3FFD];
	_ =	sdelay $0x3  }
0x96: {  	_ =	strace s2  }
0x97: {  	_ =	strace $0x8FFFFFFF  }
0x98: {  	s18 =	sld [smem:$0x3FDB];
	_ =	sdelay $0x1  }
0x99: {  	s19 =	simm.s32 $_scs_section_size  }
0x9a: {  	s4 =	simm.s32 $_size__tile_overlayer_lowered;
	s5 =	simm.s32 $_tile_overlayer_lowered  }
0x9b: {  	s22 =	simm.s32 $0x1BFF;
	s21 =	sshll.u32 s5, $0x1;
	s2 =	sadd.s32 s19, s18  }
0x9c: {  	s6 =	simm.s32 $0x0;
	s20 =	sshll.u32 s4, $0x1;
	s4 =	sadd.s32 s21, s2  }
0x9d: {  	[timem:s6], [sflag:s22] =	dma.local [hbm:s4], s20  }
0x9e: {  	_ =	swait.ge [sflag:s22], s20  }
0x9f: {  	s3 =	ssub.s32 $0x0, s20;
	[sflag:s22] =	ssyncset.done $0x0  }
0xa0: {  	[sflag:s22] =	ssyncadd.s32 s3;
	_ =	sdelay $0x1  }
0xa1: {  	s23 =	simm.s32 $0x1B8B  }
0xa2: {  	_ =	swait.ge [sflag:s23], $0x1  }
0xa3: {  	[sflag:s23] =	ssyncset.done $0x0  }
0xa4: {  	s25 =	simm.s32 $0x1B8E;
	s24 =	sld [smem:$0x3FFE];
	[sflag:s23] =	ssyncadd.s32 $0xFFFFFFFF  }
0xa5: {  	s26 =	simm.s32 $execute0_lowered;
	[smem:$0x3FD2] =	sst s25  }
0xa6: {  	s4 =	sshll.u32 s26, $0x1;
	_ =	strace $0x80000049;
	[dreg:$0x1] =	wrdreg $0xFFFFFFFF  }
0xa7: {  	s28 =	simm.s32 $_size_execute0_lowered;
	s2 =	sadd.s32 s2, s4;
	[dreg:$0x0] =	wrdreg $0x0  }
0xa8: {  	s4 =	sshll.u32 s28, $0x1;
	[dreg:$0x2] =	wrdreg s2  }
0xa9: {  	[dreg:$0x3] =	wrdreg s4  }
0xaa: {  	[dreg:$0x4] =	wrdreg $0xC0  }
0xab: {  	_ =	task [dreg:s6], $0x5FFFF  }
0xac: {  	[dreg:$0x1] =	wrdreg $0xFFFFFFFF  }
0xad: {  	[dreg:$0x0] =	wrdreg $0x60  }
0xae: {  	[dreg:$0x2] =	wrdreg s24  }
0xaf: {  	[dreg:$0x3] =	wrdreg $0x8D000  }
0xb0: {  	[dreg:$0x4] =	wrdreg $0x1CA000  }
0xb1: {  	[dreg:$0x5] =	wrdreg $0x9  }
0xb2: {  	_ =	task.clear_ibuf [dreg:s6], $0x6FFFF;
	_ =	strace $0x90000049  }
0xb3: {  	s29 =	simm.s32 $0x9;
	_ =	strace $0x8000004B  }
0xb4: {  	_ =	swait.ge [sflag:s29], $0x1  }
0xb5: {  	[sflag:s29] =	ssyncadd.s32 $0xFFFFFFFF  }
0xb6: {  	_ =	strace $0x9000004B  }
0xb7: {  	_ =	sfence  }
0xb8: {  	s30 =	sld [smem:$0x0];
	_ =	sdelay $0x2  }
0xb9: {  	s31 =	sshll.u32 s1, $0xD;
	s1 =	sshrl.u32 s1, $0x2  }
0xba: {  	s3 =	sand.u32 $0x4000, s31;
	s1 =	sadd.s32 s1, s30  }
0xbb: {  	s0 =	sor.u32 s3, s0;
	s1 =	sshll.u32 s1, $0x11  }
0xbc: {  	s0 =	sor.u32 s1, s0  }
0xbd: {  	s0 =	sadd.s32 $0x8F2B, s0  }
0xbe: {  	[sflag:s0] =	ssyncadd.remote.s32 $0x1  }
0xbf: {  	_ =	sfence.sel $0xFFFF  }
0xc0: {  	[dreg:$0x0] =	wrdreg $0xFFFFFFFF;
	(pc) =	sbr.abs _section_cstart, $3  }
0xc1: {  	[dreg:$0x1] =	wrdreg $0xFFFFFFFF  }
0xc2: {  	_ =	task.clear_ibuf [dreg:s6], $0x2FFFF;
	_ =	strace $0x9FFFFFFF  }
0xc3: {  	(tm) =	ssettm $0x7FFFFFFF  }
tec
execute0_lowered:
.L_overlay_start_1:
0x0: {  	(tag) =	ssettag $0x1  }
0x1: {  	s0 =	rddreg [dreg:$0x0];
	s1 =	srdreg.scid  }
0x2: {  	s2 =	rddreg [dreg:$0x1];
	s26 =	stileid.u32  }
0x3: {  	s3 =	rddreg [dreg:$0x2];
	s6 =	smul.u32 $0x2710, s26  }
0x4: {  	s4 =	simm.s32 $0x0;
	s31 =	simm.s32 $0x2;
	s7 =	smul.u32 $0x3E8, s26  }
0x5: {  	s30 =	simm.s32 $0x100;
	s1 =	sand.u32 $0x1, s1;
	s25 =	smul.u32 $0x7D000, s26  }
0x6: {  	[smem:$0x7FF] =	sst s4;
	s9 =	sadd.s32 $0x3E200, s0;
	s15 =	smul.u32 $0xFA0, s26  }
0x7: {  	s11 =	sadd.s32 $0x16800, s0;
	p0 =	sgt.u32 s26, $0x9;
	s5 =	smul.u32 $0x27100, s1  }
0x8: {  	_ =	strace $0x8000004A;
	s10 =	smul.u32 $0x2710, s1;
	[dreg:$0x4] =	wrdreg s9  }
0x9: {  	[dreg:$0x5] =	wrdreg s11;
	s11 =	sadd.s32 $0x3F000, s0;
	s1 =	ssub.s32 $0x2, s1  }
0xa: {  	s9 =	sshrl.u32 s25, $0x2;
	s14 =	sshrl.u32 s1, $0x1;
	s16 =	sshrl.u32 s15, $0x2  }
0xb: {  	s17 =	sadd.s32 $0xC8, s7;
	s20 =	sadd.s32 $0x190, s7;
	s25 =	sadd.s32 $0x320, s7  }
0xc: {  	s5 =	sadd.s32 s6, s5;
	s6 =	sadd.s32 $0x3DC00, s0;
	s12 =	sadd.s32 s7, s10  }
0xd: {  	s9 =	sadd.s32 s9, s2;
	s1 =	ssub.s32 s1, s14;
	s18 =	sadd.s32 s10, s17  }
0xe: {  	s19 =	sshll.u32 s17, $0x7;
	s21 =	sadd.s32 s10, s20;
	s15 =	sshll.u32 s20, $0x7  }
0xf: {  	s5 =	sshrl.u32 s5, $0x3;
	s13 =	sshrl.u32 s12, $0x3;
	s14 =	sadd.s32 $0x6400, s9  }
0x10: {  	s12 =	sshll.u32 s12, $0x4;
	s22 =	sadd.s32 s15, s2;
	s26 =	sadd.s32 $0xC800, s9  }
0x11: {  	s8 =	sadd.s32 s5, s0;
	s5 =	sadd.s32 $0x16A00, s0;
	[dreg:$0x6] =	wrdreg s14  }
0x12: {  	s0 =	sadd.s32 s13, s0;
	s13 =	sadd.s32 s16, s3;
	[dreg:$0xb] =	wrdreg s22  }
0x13: {  	s28 =	sadd.s32 $0x12C00, s9;
	s12 =	sadd.s32 s11, s12;
	[dreg:$0x7] =	wrdreg s13  }
0x14: {  	s29 =	sadd.s32 $0x19000, s9;
	[dreg:$0x8] =	wrdreg s12;
	s12 =	sshll.u32 s18, $0x4  }
0x15: {  	s13 =	sadd.s32 s19, s2;
	s18 =	sadd.s32 $0x258, s7;
	s19 =	sshll.u32 s25, $0x7  }
0x16: {  	s22 =	sadd.s32 $0x8D200, s0;
	s0 =	simm.s32 $0x50;
	[dreg:$0x9] =	wrdreg s13  }
0x17: {  	s12 =	sadd.s32 s11, s12;
	s23 =	sshll.u32 s18, $0x7;
	s24 =	sadd.s32 s10, s18  }
0x18: {  	s10 =	sadd.s32 s10, s25;
	s19 =	sadd.s32 s19, s2;
	s25 =	sadd.s32 $0xCA00, s8  }
0x19: {  	[dreg:$0xa] =	wrdreg s12;
	s12 =	sshll.u32 s21, $0x4;
	s17 =	sadd.s32 s23, s2  }
0x1a: {  	s10 =	sshll.u32 s10, $0x4;
	s21 =	sadd.s32 s7, s3;
	s23 =	smax.u32 s1, $0x1  }
0x1b: {  	s1 =	simm.s32 $0x80;
	s7 =	simm.s32 $0x1;
	s16 =	sadd.s32 s11, s12  }
0x1c: {  	s12 =	sshll.u32 s24, $0x4;
	s20 =	sadd.s32 s11, s10;
	s24 =	sadd.s32 $0x2C00, s8  }
0x1d: {  	s8 =	simm.s32 $0x1C580;
	s10 =	simm.s32 $0x0;
	s18 =	sadd.s32 s11, s12  }
.LBB2_1:
0x1e: {  	s11 =	rddreg [dreg:$0x4];
	s12 =	simm.s32 $0x2900  }
0x1f: {  	[tilespmem:s12], [sflag:$0x2] =	stream.linear.gather [hbm4b:s11+s4], $0x6400, $0x38;
	[tilespmem:$0x1CC78] =	vst v63  }
0x20: {  	_ =	swait.ge [sflag:s31], $0x6400  }
0x21: {  	[sflag:s31] =	ssyncset.done $0x0  }
0x22: {  	s11 =	simm.s32 @!p0 $0x2900;
	s12 =	simm.s32 @!p0 $0x2;
	[sflag:s31] =	ssyncadd.s32 $0xFFFF9C00  }
0x23: {  	[spmem:s9] =	stream.linear.scatter @!p0 [tilespmem:s11], [sflag:$0x2], $0x6400, $0x38;
	[tilespmem:$0x1CC78] =	vst v63  }
0x24: {  	_ =	swait.ge @!p0 [sflag:s12], $0x6400  }
0x25: {  	[sflag:s12] =	ssyncset.done @!p0 $0x0  }
0x26: {  	s13 =	rddreg [dreg:$0x6];
	[sflag:s12] =	ssyncadd.s32 @!p0 $0xFFFF9C00  }
0x27: {  	[spmem:s13] =	stream.linear.scatter @!p0 [tilespmem:s11], [sflag:$0x2], $0x6400, $0x38;
	[tilespmem:$0x1CC78] =	vst v63  }
0x28: {  	_ =	swait.ge @!p0 [sflag:s12], $0x6400  }
0x29: {  	[sflag:s12] =	ssyncset.done @!p0 $0x0  }
0x2a: {  	[sflag:s12] =	ssyncadd.s32 @!p0 $0xFFFF9C00  }
0x2b: {  	[spmem:s26] =	stream.linear.scatter @!p0 [tilespmem:s11], [sflag:$0x2], $0x6400, $0x38;
	[tilespmem:$0x1CC78] =	vst v63  }
0x2c: {  	_ =	swait.ge @!p0 [sflag:s12], $0x6400  }
0x2d: {  	[sflag:s12] =	ssyncset.done @!p0 $0x0  }
0x2e: {  	[sflag:s12] =	ssyncadd.s32 @!p0 $0xFFFF9C00  }
0x2f: {  	[spmem:s28] =	stream.linear.scatter @!p0 [tilespmem:s11], [sflag:$0x2], $0x6400, $0x38;
	[tilespmem:$0x1CC78] =	vst v63  }
0x30: {  	_ =	swait.ge @!p0 [sflag:s12], $0x6400  }
0x31: {  	[sflag:s12] =	ssyncset.done @!p0 $0x0  }
0x32: {  	[sflag:s12] =	ssyncadd.s32 @!p0 $0xFFFF9C00  }
0x33: {  	[spmem:s29] =	stream.linear.scatter @!p0 [tilespmem:s11], [sflag:$0x2], $0x6400, $0x38;
	[tilespmem:$0x1CC78] =	vst v63  }
0x34: {  	_ =	swait.ge @!p0 [sflag:s12], $0x6400  }
0x35: {  	s13 =	simm.s32 @!p0 $0x1C600;
	[sflag:s12] =	ssyncset.done @!p0 $0x0  }
0x36: {  	s11 =	simm.s32 @!p0 $0x0;
	s14 =	rddreg [dreg:$0x5];
	[sflag:s12] =	ssyncadd.s32 @!p0 $0xFFFF9C00  }
0x37: {  	[tilespmem:s13], [sflag:$0x2] =	stream.linear.gather @!p0 [hbm4b:s14+s11], $0x400, $0x38;
	[tilespmem:$0x1CC78] =	vst v63  }
0x38: {  	_ =	swait.ge @!p0 [sflag:s12], $0x400  }
0x39: {  	[sflag:s12] =	ssyncset.done @!p0 $0x0  }
0x3a: {  	s11 =	rddreg [dreg:$0x7];
	[sflag:s12] =	ssyncadd.s32 @!p0 $0xFFFFFC00  }
0x3b: {  	[spmem:s11] =	stream.linear.scatter @!p0 [tilespmem:s13], [sflag:$0x2], $0x3E8, $0x38;
	[tilespmem:$0x1CC78] =	vst v63  }
0x3c: {  	_ =	swait.ge @!p0 [sflag:s12], $0x3E8  }
0x3d: {  	[sflag:s12] =	ssyncset.done @!p0 $0x0  }
0x3e: {  	[sflag:s12] =	ssyncadd.s32 @!p0 $0xFFFFFC18  }
0x3f: {  	s14 =	sadd.s32 $0x0, s25;
	[bflag:$0x0] =	sbarrier.arrive $0xFFFF  }
0x40: {  	[tilespmem:s4], [sflag:$0x2] =	stream.linear.gather [hbm4b:s14+s4], $0x50, $0x38;
	[tilespmem:$0x1CC78] =	vst v63  }
0x41: {  	_ =	swait.ge [sflag:s31], $0x50  }
0x42: {  	[sflag:s31] =	ssyncset.done $0x0  }
0x43: {  	s15 =	sadd.s32 $0x0, s24;
	[sflag:s31] =	ssyncadd.s32 $0xFFFFFFB0  }
0x44: {  	[tilespmem:s1], [sflag:$0x2] =	stream.linear.gather [hbm4b:s15+s4], $0x50, $0x38;
	[tilespmem:$0x1CC78] =	vst v63  }
0x45: {  	_ =	swait.ge [sflag:s31], $0x50  }
0x46: {  	[sflag:s31] =	ssyncset.done $0x0  }
0x47: {  	[sflag:s31] =	ssyncadd.s32 $0xFFFFFFB0  }
0x48: {  	[tilespmem:s30], [sflag:$0x1] =	stream.indirect.gather [hbm4b:s5+s0], $0x80, s4, s0, $0xb8;
	[tilespmem:$0x1CC78] =	vst v63  }
0x49: {  	_ =	swait.ge [sflag:s7], $0x2800  }
0x4a: {  	[sflag:s7] =	ssyncset.done $0x0  }
0x4b: {  	[sflag:s7] =	ssyncadd.s32 $0xFFFFD800  }
0x4c: {  	[spmem:s2] =	stream.indirect.scatter.add.f32 [tilespmem:s30], [sflag:$0x2], $0x80, s1, s0, $0xb8;
	[tilespmem:$0x1CC78] =	vst v63  }
0x4d: {  	_ =	swait.ge [sflag:s31], $0x2800  }
0x4e: {  	[sflag:s31] =	ssyncset.done $0x0  }
0x4f: {  	[sflag:s31] =	ssyncadd.s32 $0xFFFFD800  }
0x50: {  	[tilespmem:s8], [sflag:$0x1] =	stream.indirect.gather [hbm4b:s6+s0], $0x1, s1, s0, $0xb8;
	[tilespmem:$0x1CC78] =	vst v63  }
0x51: {  	_ =	swait.ge [sflag:s7], $0x50  }
0x52: {  	[sflag:s7] =	ssyncset.done $0x0  }
0x53: {  	[sflag:s7] =	ssyncadd.s32 $0xFFFFFFB0  }
0x54: {  	[spmem:s3] =	stream.indirect.scatter.add.f32 [tilespmem:s8], [sflag:$0x2], $0x1, s4, s0, $0xb8;
	[tilespmem:$0x1CC78] =	vst v63  }
0x55: {  	_ =	swait.ge [sflag:s31], $0x50  }
0x56: {  	s11 =	simm.s32 $0xA;
	s12 =	simm.s32 $0x14;
	[sflag:s31] =	ssyncset.done $0x0  }
.LBB2_2:
0x57: {  	s13 =	sadd.s32 s11, s25  }
0x58: {  	[sflag:s31] =	ssyncadd.s32 $0xFFFFFFB0;
	s14 =	smov.u32 s12;
	s15 =	sadd.s32 $0xA, s12  }
0x59: {  	[tilespmem:s4], [sflag:$0x2] =	stream.linear.gather [hbm4b:s13+s4], $0x50, $0x38;
	[tilespmem:$0x1CC78] =	vst v63  }
0x5a: {  	p1 =	sne.s32 s12, $0x4D8;
	_ =	swait.ge [sflag:s31], $0x50  }
0x5b: {  	[sflag:s31] =	ssyncset.done $0x0  }
0x5c: {  	s12 =	sadd.s32 s11, s24;
	s11 =	smov.u32 s14;
	[sflag:s31] =	ssyncadd.s32 $0xFFFFFFB0  }
0x5d: {  	[tilespmem:s1], [sflag:$0x2] =	stream.linear.gather [hbm4b:s12+s4], $0x50, $0x38;
	[tilespmem:$0x1CC78] =	vst v63  }
0x5e: {  	_ =	swait.ge [sflag:s31], $0x50  }
0x5f: {  	[sflag:s31] =	ssyncset.done $0x0  }
0x60: {  	[sflag:s31] =	ssyncadd.s32 $0xFFFFFFB0  }
0x61: {  	[tilespmem:s30], [sflag:$0x1] =	stream.indirect.gather [hbm4b:s5+s0], $0x80, s4, s0, $0xb8;
	[tilespmem:$0x1CC78] =	vst v63  }
0x62: {  	_ =	swait.ge [sflag:s7], $0x2800  }
0x63: {  	[sflag:s7] =	ssyncset.done $0x0  }
0x64: {  	[sflag:s7] =	ssyncadd.s32 $0xFFFFD800  }
0x65: {  	[spmem:s2] =	stream.indirect.scatter.add.f32 [tilespmem:s30], [sflag:$0x2], $0x80, s1, s0, $0xb8;
	[tilespmem:$0x1CC78] =	vst v63  }
0x66: {  	_ =	swait.ge [sflag:s31], $0x2800  }
0x67: {  	[sflag:s31] =	ssyncset.done $0x0  }
0x68: {  	[sflag:s31] =	ssyncadd.s32 $0xFFFFD800  }
0x69: {  	[tilespmem:s8], [sflag:$0x1] =	stream.indirect.gather [hbm4b:s6+s0], $0x1, s1, s0, $0xb8;
	[tilespmem:$0x1CC78] =	vst v63  }
0x6a: {  	_ =	swait.ge [sflag:s7], $0x50  }
.Ltmp0:
0x6b: {  	[sflag:s7] =	ssyncset.done $0x0;
	(pc) =	sbr.rel @p1 .LBB2_2-.Ltmp0, $4  }
0x6c: {  	[sflag:s7] =	ssyncadd.s32 $0xFFFFFFB0  }
0x6d: {  	[spmem:s3] =	stream.indirect.scatter.add.f32 [tilespmem:s8], [sflag:$0x2], $0x1, s4, s0, $0xb8;
	[tilespmem:$0x1CC78] =	vst v63  }
0x6e: {  	_ =	swait.ge [sflag:s31], $0x50  }
0x6f: {  	s12 =	smov.u32 s15;
	[sflag:s31] =	ssyncset.done $0x0  }
0x70: {  	s12 =	sadd.s32 s11, s25;
	[sflag:s31] =	ssyncadd.s32 $0xFFFFFFB0  }
0x71: {  	[tilespmem:s4], [sflag:$0x2] =	stream.linear.gather [hbm4b:s12+s4], $0x50, $0x38;
	[tilespmem:$0x1CC78] =	vst v63  }
0x72: {  	_ =	swait.ge [sflag:s31], $0x50  }
0x73: {  	[sflag:s31] =	ssyncset.done $0x0  }
0x74: {  	s15 =	sadd.s32 s11, s24;
	[sflag:s31] =	ssyncadd.s32 $0xFFFFFFB0  }
0x75: {  	[tilespmem:s1], [sflag:$0x2] =	stream.linear.gather [hbm4b:s15+s4], $0x50, $0x38;
	[tilespmem:$0x1CC78] =	vst v63  }
0x76: {  	_ =	swait.ge [sflag:s31], $0x50  }
0x77: {  	[sflag:s31] =	ssyncset.done $0x0  }
0x78: {  	[sflag:s31] =	ssyncadd.s32 $0xFFFFFFB0  }
0x79: {  	[tilespmem:s30], [sflag:$0x1] =	stream.indirect.gather [hbm4b:s5+s0], $0x80, s4, s0, $0xb8;
	[tilespmem:$0x1CC78] =	vst v63  }
0x7a: {  	_ =	swait.ge [sflag:s7], $0x2800  }
0x7b: {  	[sflag:s7] =	ssyncset.done $0x0  }
0x7c: {  	[sflag:s7] =	ssyncadd.s32 $0xFFFFD800  }
0x7d: {  	[spmem:s2] =	stream.indirect.scatter.add.f32 [tilespmem:s30], [sflag:$0x2], $0x80, s1, s0, $0xb8;
	[tilespmem:$0x1CC78] =	vst v63  }
0x7e: {  	_ =	swait.ge [sflag:s31], $0x2800  }
0x7f: {  	[sflag:s31] =	ssyncset.done $0x0  }
0x80: {  	[sflag:s31] =	ssyncadd.s32 $0xFFFFD800  }
0x81: {  	[tilespmem:s8], [sflag:$0x1] =	stream.indirect.gather [hbm4b:s6+s0], $0x1, s1, s0, $0xb8;
	[tilespmem:$0x1CC78] =	vst v63  }
0x82: {  	_ =	swait.ge [sflag:s7], $0x50  }
0x83: {  	[sflag:s7] =	ssyncset.done $0x0  }
0x84: {  	[sflag:s7] =	ssyncadd.s32 $0xFFFFFFB0  }
0x85: {  	[spmem:s3] =	stream.indirect.scatter.add.f32 [tilespmem:s8], [sflag:$0x2], $0x1, s4, s0, $0xb8;
	[tilespmem:$0x1CC78] =	vst v63  }
0x86: {  	_ =	swait.ge [sflag:s31], $0x50  }
0x87: {  	[sflag:s31] =	ssyncset.done $0x0  }
0x88: {  	[sflag:s31] =	ssyncadd.s32 $0xFFFFFFB0  }
0x89: {  	s11 =	simm.s32 @!p0 $0x2900;
	s12 =	simm.s32 @!p0 $0x2;
	[bflag:$0x0] =	sbarrier.arrive $0xFFFF  }
0x8a: {  	[tilespmem:s11], [sflag:$0x2] =	stream.linear.gather @!p0 [spmem:s9], $0x6400, $0x38;
	[tilespmem:$0x1CC78] =	vst v63  }
0x8b: {  	_ =	swait.ge @!p0 [sflag:s12], $0x6400  }
0x8c: {  	[sflag:s12] =	ssyncset.done @!p0 $0x0  }
0x8d: {  	s13 =	simm.s32 @!p0 $0x0;
	s14 =	rddreg [dreg:$0x8];
	[sflag:s12] =	ssyncadd.s32 @!p0 $0xFFFF9C00  }
0x8e: {  	[hbm4b:s14+s13] =	stream.linear.scatter @!p0 [tilespmem:s11], [sflag:$0x2], $0x6400, $0x38;
	[tilespmem:$0x1CC78] =	vst v63  }
0x8f: {  	_ =	swait.ge @!p0 [sflag:s12], $0x6400  }
0x90: {  	[sflag:s12] =	ssyncset.done @!p0 $0x0  }
0x91: {  	s14 =	rddreg [dreg:$0x9];
	[sflag:s12] =	ssyncadd.s32 @!p0 $0xFFFF9C00  }
0x92: {  	[tilespmem:s11], [sflag:$0x2] =	stream.linear.gather @!p0 [spmem:s14], $0x6400, $0x38;
	[tilespmem:$0x1CC78] =	vst v63  }
0x93: {  	_ =	swait.ge @!p0 [sflag:s12], $0x6400  }
0x94: {  	[sflag:s12] =	ssyncset.done @!p0 $0x0  }
0x95: {  	s14 =	rddreg [dreg:$0xa];
	[sflag:s12] =	ssyncadd.s32 @!p0 $0xFFFF9C00  }
0x96: {  	[hbm4b:s14+s13] =	stream.linear.scatter @!p0 [tilespmem:s11], [sflag:$0x2], $0x6400, $0x38;
	[tilespmem:$0x1CC78] =	vst v63  }
0x97: {  	_ =	swait.ge @!p0 [sflag:s12], $0x6400  }
0x98: {  	[sflag:s12] =	ssyncset.done @!p0 $0x0  }
0x99: {  	s14 =	rddreg [dreg:$0xb];
	[sflag:s12] =	ssyncadd.s32 @!p0 $0xFFFF9C00  }
0x9a: {  	[tilespmem:s11], [sflag:$0x2] =	stream.linear.gather @!p0 [spmem:s14], $0x6400, $0x38;
	[tilespmem:$0x1CC78] =	vst v63  }
0x9b: {  	_ =	swait.ge @!p0 [sflag:s12], $0x6400  }
0x9c: {  	[sflag:s12] =	ssyncset.done @!p0 $0x0  }
0x9d: {  	[sflag:s12] =	ssyncadd.s32 @!p0 $0xFFFF9C00  }
0x9e: {  	[hbm4b:s16+s13] =	stream.linear.scatter @!p0 [tilespmem:s11], [sflag:$0x2], $0x6400, $0x38;
	[tilespmem:$0x1CC78] =	vst v63  }
0x9f: {  	_ =	swait.ge @!p0 [sflag:s12], $0x6400  }
0xa0: {  	[sflag:s12] =	ssyncset.done @!p0 $0x0  }
0xa1: {  	[sflag:s12] =	ssyncadd.s32 @!p0 $0xFFFF9C00  }
0xa2: {  	[tilespmem:s11], [sflag:$0x2] =	stream.linear.gather @!p0 [spmem:s17], $0x6400, $0x38;
	[tilespmem:$0x1CC78] =	vst v63  }
0xa3: {  	_ =	swait.ge @!p0 [sflag:s12], $0x6400  }
0xa4: {  	[sflag:s12] =	ssyncset.done @!p0 $0x0  }
0xa5: {  	[sflag:s12] =	ssyncadd.s32 @!p0 $0xFFFF9C00  }
0xa6: {  	[hbm4b:s18+s13] =	stream.linear.scatter @!p0 [tilespmem:s11], [sflag:$0x2], $0x6400, $0x38;
	[tilespmem:$0x1CC78] =	vst v63  }
0xa7: {  	_ =	swait.ge @!p0 [sflag:s12], $0x6400  }
0xa8: {  	[sflag:s12] =	ssyncset.done @!p0 $0x0  }
0xa9: {  	[sflag:s12] =	ssyncadd.s32 @!p0 $0xFFFF9C00  }
0xaa: {  	[tilespmem:s11], [sflag:$0x2] =	stream.linear.gather @!p0 [spmem:s19], $0x6400, $0x38;
	[tilespmem:$0x1CC78] =	vst v63  }
0xab: {  	_ =	swait.ge @!p0 [sflag:s12], $0x6400  }
0xac: {  	[sflag:s12] =	ssyncset.done @!p0 $0x0  }
0xad: {  	[sflag:s12] =	ssyncadd.s32 @!p0 $0xFFFF9C00  }
0xae: {  	[hbm4b:s20+s13] =	stream.linear.scatter @!p0 [tilespmem:s11], [sflag:$0x2], $0x6400, $0x38;
	[tilespmem:$0x1CC78] =	vst v63  }
0xaf: {  	_ =	swait.ge @!p0 [sflag:s12], $0x6400  }
0xb0: {  	[sflag:s12] =	ssyncset.done @!p0 $0x0  }
0xb1: {  	s11 =	simm.s32 @!p0 $0x1C600;
	[sflag:s12] =	ssyncadd.s32 @!p0 $0xFFFF9C00  }
0xb2: {  	[tilespmem:s11], [sflag:$0x2] =	stream.linear.gather @!p0 [spmem:s21], $0x3E8, $0x38;
	[tilespmem:$0x1CC78] =	vst v63  }
0xb3: {  	s10 =	sadd.s32 $0x1, s10;
	_ =	swait.ge @!p0 [sflag:s12], $0x3E8  }
0xb4: {  	p1 =	sne.s32 s10, s23;
	[sflag:s12] =	ssyncset.done @!p0 $0x0  }
.Ltmp1:
0xb5: {  	[sflag:s12] =	ssyncadd.s32 @!p0 $0xFFFFFC18;
	(pc) =	sbr.rel @p1 .LBB2_1-.Ltmp1, $4  }
0xb6: {  	[hbm4b:s22+s13] =	stream.linear.scatter @!p0 [tilespmem:s11], [sflag:$0x2], $0x3E8, $0x38;
	[tilespmem:$0x1CC78] =	vst v63  }
0xb7: {  	_ =	swait.ge @!p0 [sflag:s12], $0x3E8  }
0xb8: {  	[sflag:s12] =	ssyncset.done @!p0 $0x0  }
0xb9: {  	[sflag:s12] =	ssyncadd.s32 @!p0 $0xFFFFFC18  }
0xba: {  	_ =	sfence.sel $0x180000  }
0xbb: {  	[bflag:$0x0] =	sbarrier.arrive $0xFFFF  }
0xbc: {  	_ =	strace $0x9000004A  }
0xbd: {  	s0 =	stileid.u32;
	[bflag:$0x2] =	sbarrier.arrive $0xFFFF  }
0xbe: {  	p0 =	sne.s32 s0, $0x0;
	s0 =	rddreg [dreg:$0x3]  }
0xbf: {  	s0 =	sadd.s32 @!p0 $0x100000, s0  }
0xc0: {  	[sflag:s0] =	ssyncadd.tile.s32 @!p0 $0x1;
	_ =	shalt  }
.Lfunc_end2:
_tile_overlayer_lowered:
.L_overlay_start_2:
0xc1: {  	(tag) =	ssettag $0x2  }
0xc2: {  	s0 =	rddreg [dreg:$0x0];
	s2 =	stileid.u32  }
0xc3: {  	s1 =	rddreg [dreg:$0x1];
	p0 =	sne.s32 s2, $0x0  }
0xc4: {  	s3 =	rddreg [dreg:$0x2];
	[bflag:$0x3] =	sbarrier.arrive $0xFFFF;
	s2 =	simm.s32 @!p0 $0x1C02  }
0xc5: {  	[timem:s3], [sflag:s2] =	dma.local @!p0 [hbm:s0], s1  }
0xc6: {  	s0 =	simm.s32 @!p0 $0x2  }
0xc7: {  	_ =	swait.ge @!p0 [sflag:s0], s1  }
0xc8: {  	s1 =	ssub.s32 @!p0 $0x0, s1;
	[sflag:s0] =	ssyncset.done @!p0 $0x0  }
0xc9: {  	[sflag:s0] =	ssyncadd.s32 @!p0 s1  }
0xca: {  	[bflag:$0x3] =	sbarrier.arrive $0xFFFF  }
0xcb: {  	_ =	shalt  }

// kernel: kernel.14.cloned.1.call-start
scs
__scs_entry_jumppad:
0x0: {  	(pc) =	sbr.rel $0x88, $3  }
0x1: {  	(tag) =	ssettag $0x0;
	lr =	simm.s32 $0x1  }
0x2: {  	[smem:$0x3F95] =	sst lr;
	_ =	strace $0xD0000000  }
0x3: {  	_ = 	snop  }
0x4: {  	_ = 	snop  }
0x5: {  	_ = 	snop  }
0x6: {  	_ = 	snop  }
0x7: {  	_ = 	snop  }
__scs_overlays_trampoline_lowered:
0x8: {  	[smem:$0x3FA4] =	sst s0  }
0x9: {  	[smem:$0x3FA5] =	sst s1  }
0xa: {  	[smem:$0x3FA6] =	sst s2  }
0xb: {  	[smem:$0x3FA7] =	sst s3  }
0xc: {  	[smem:$0x3FA8] =	sst s4  }
0xd: {  	[smem:$0x3FA9] =	sst s5  }
0xe: {  	[smem:$0x3FAA] =	sst s6  }
0xf: {  	[smem:$0x3FAB] =	sst s7  }
0x10: {  	[smem:$0x3FAC] =	sst s8  }
0x11: {  	[smem:$0x3FAD] =	sst s9;
	s0 =	simm.s32 @!p0 $0x0  }
0x12: {  	s1 =	sld [smem:$0x3F93];
	s0 =	simm.s32 @p0 $0x1  }
0x13: {  	[smem:$0x3FAE] =	sst s0;
	s0 =	simm.s32 @!p1 $0x0  }
0x14: {  	s2 =	sld [smem:$0x3F92];
	s0 =	simm.s32 @p1 $0x1  }
0x15: {  	[smem:$0x3FAF] =	sst s0;
	s0 =	simm.s32 @!p2 $0x0  }
0x16: {  	s3 =	sld [smem:$0x3FDB];
	s0 =	simm.s32 @p2 $0x1  }
0x17: {  	s4 =	simm.s32 $0x1BF5;
	[smem:$0x3FB1] =	sst s0  }
0x18: {  	s0 =	sld [smem:$0x3F94];
	_ =	swait.ge [sflag:s4], $0x0  }
0x19: {  	s7 =	sld [smem:$0x3F95]  }
0x1a: {  	s8 =	sadd.s32 $0xFFFFE003, lr  }
0x1b: {  	s9 =	sadd.s32 $0xFFFFFEF7, lr;
	s5 =	simm.s32 $0xFFFFFFFF;
	p2 =	slt.u32 s8, $0xFFFFF086  }
0x1c: {  	p1 =	slt.u32 s9, $0xF7A;
	s5 =	simm.s32 @!p2 $0x0  }
0x1d: {  	s5 =	simm.s32 @p1 $0x1;
	p0 =	seq.s32 s7, s2  }
0x1e: {  	s7 =	smul.u32 @!p0 $0xF7A, s2;
	p2 =	seq.s32 @!p0 s5, $0x0  }
0x1f: {  	s9 =	smul.u32 $0xF7A, s1;
	s8 =	simm.s32 @!p0 $0x1BF5;
	p2 =	por !p2, p0  }
0x20: {  	[sflag:s8] =	ssyncset.s32 @!p0 $0xFFFFF086;
	s6 =	sadd.s32 @!p0 s3, s7;
	s7 =	simm.s32 @!p0 $0x108  }
0x21: {  	s3 =	sadd.s32 s3, s9;
	s6 =	sadd.s32 @!p0 $0x88, s6;
	s7 =	simm.s32 @p2 $0x1082  }
0x22: {  	[simem:s7], [sflag:s8] =	dma.local @!p0 [hbm:s6], $0xF7A  }
0x23: {  	s9 =	sor.u32 $0xD0000000, s2;
	s6 =	simm.s32 $0x108;
	_ =	swait.ge @!p0 [sflag:s8], $0x0  }
0x24: {  	s3 =	sadd.s32 $0x88, s3;
	s6 =	simm.s32 @!p1 $0x1082;
	[sflag:s4] =	ssyncset.s32 $0xFFFFF086  }
0x25: {  	[simem:s6], [sflag:s4] =	dma.local [hbm:s3], $0xF7A  }
0x26: {  	[smem:$0x3F95] =	sst s1;
	(tag) =	ssettag s2;
	_ =	strace s9  }
0x27: {  	s1 =	sld [smem:$0x3FA5]  }
0x28: {  	s2 =	sld [smem:$0x3FA6]  }
0x29: {  	s4 =	sld [smem:$0x3FA8]  }
0x2a: {  	p0 =	seq.s32 s5, $0x0;
	s5 =	sld [smem:$0x3FA9]  }
0x2b: {  	s6 =	sld [smem:$0x3FAA]  }
0x2c: {  	s7 =	sld [smem:$0x3FAB]  }
0x2d: {  	s3 =	simm.s32 $0x108;
	s8 =	sld [smem:$0x3FAC]  }
0x2e: {  	s3 =	simm.s32 @!p0 $0x1082;
	s9 =	sld [smem:$0x3FAD]  }
0x2f: {  	lr =	sadd.s32 s0, s3;
	s0 =	sld [smem:$0x3FA4]  }
0x30: {  	s3 =	sld [smem:$0x3FA7]  }
0x31: {  	[smem:$0x3FB0] =	sst s10  }
0x32: {  	s10 =	sld [smem:$0x3FAE];
	_ =	sdelay $0x3  }
0x33: {  	p0 =	seq.s32 s10, $0x1;
	s10 =	sld [smem:$0x3FB0];
	_ =	sdelay $0x3  }
0x34: {  	[smem:$0x3FB0] =	sst s10  }
0x35: {  	s10 =	sld [smem:$0x3FAF];
	_ =	sdelay $0x3  }
0x36: {  	p1 =	seq.s32 s10, $0x1;
	s10 =	sld [smem:$0x3FB0];
	_ =	sdelay $0x3  }
0x37: {  	[smem:$0x3FB0] =	sst s10  }
0x38: {  	s10 =	sld [smem:$0x3FB1]  }
0x39: {  	_ = 	snop;
	(pc) =	sbr.ind lr, $3  }
0x3a: {  	_ = 	snop  }
0x3b: {  	_ = 	snop  }
0x3c: {  	p2 =	seq.s32 s10, $0x1;
	s10 =	sld [smem:$0x3FB0]  }
0x3d: {  	_ =	shalt  }
0x3e: {  	_ =	shalt  }
0x3f: {  	_ =	shalt  }
0x40: {  	_ =	shalt  }
0x41: {  	_ =	shalt  }
0x42: {  	_ =	shalt  }
0x43: {  	_ =	shalt  }
0x44: {  	_ =	shalt  }
0x45: {  	_ =	shalt  }
0x46: {  	_ =	shalt  }
0x47: {  	_ =	shalt  }
0x48: {  	_ =	shalt  }
0x49: {  	_ =	shalt  }
0x4a: {  	_ =	shalt  }
0x4b: {  	_ =	shalt  }
0x4c: {  	_ =	shalt  }
0x4d: {  	_ =	shalt  }
0x4e: {  	_ =	shalt  }
0x4f: {  	_ =	shalt  }
0x50: {  	_ =	shalt  }
0x51: {  	_ =	shalt  }
0x52: {  	_ =	shalt  }
0x53: {  	_ =	shalt  }
0x54: {  	_ =	shalt  }
0x55: {  	_ =	shalt  }
0x56: {  	_ =	shalt  }
0x57: {  	_ =	shalt  }
0x58: {  	_ =	shalt  }
0x59: {  	_ =	shalt  }
0x5a: {  	_ =	shalt  }
0x5b: {  	_ =	shalt  }
0x5c: {  	_ =	shalt  }
0x5d: {  	_ =	shalt  }
0x5e: {  	_ =	shalt  }
0x5f: {  	_ =	shalt  }
0x60: {  	_ =	shalt  }
0x61: {  	_ =	shalt  }
0x62: {  	_ =	shalt  }
0x63: {  	_ =	shalt  }
0x64: {  	_ =	shalt  }
0x65: {  	_ =	shalt  }
0x66: {  	_ =	shalt  }
0x67: {  	_ =	shalt  }
0x68: {  	_ =	shalt  }
0x69: {  	_ =	shalt  }
0x6a: {  	_ =	shalt  }
0x6b: {  	_ =	shalt  }
0x6c: {  	_ =	shalt  }
0x6d: {  	_ =	shalt  }
0x6e: {  	_ =	shalt  }
0x6f: {  	_ =	shalt  }
0x70: {  	_ =	shalt  }
0x71: {  	_ =	shalt  }
0x72: {  	_ =	shalt  }
0x73: {  	_ =	shalt  }
0x74: {  	_ =	shalt  }
0x75: {  	_ =	shalt  }
0x76: {  	_ =	shalt  }
0x77: {  	_ =	shalt  }
0x78: {  	_ =	shalt  }
0x79: {  	_ =	shalt  }
0x7a: {  	_ =	shalt  }
0x7b: {  	_ =	shalt  }
0x7c: {  	_ =	shalt  }
0x7d: {  	_ =	shalt  }
0x7e: {  	_ =	shalt  }
0x7f: {  	_ =	shalt  }
0x80: {  	_ =	shalt  }
0x81: {  	_ =	shalt  }
0x82: {  	_ =	shalt  }
0x83: {  	_ =	shalt  }
0x84: {  	_ =	shalt  }
0x85: {  	_ =	shalt  }
0x86: {  	_ =	shalt  }
0x87: {  	_ =	shalt  }
.Lfunc_end0:
.L_simem_size_0:
called_computation.2_lowered:
.L_overlay_start_0:
0x88: {  	s2 =	sld [smem:$0x3FD9]  }
0x89: {  	s3 =	sld [smem:$0x3FFE];
	_ =	sdelay $0x1  }
0x8a: {  	s1 =	srdreg.scid  }
0x8b: {  	s0 =	sand.u32 $0x1, s1  }
0x8c: {  	s16 =	sshll.u32 s0, $0xA;
	s2 =	sadd.s32 s3, s2  }
0x8d: {  	s2 =	sadd.s32 s2, s16  }
0x8e: {  	[smem:$0x3FBC] =	sst s2  }
0x8f: {  	_ = 	snop  }
0x90: {  	(tm) =	ssettm $0x1  }
0x91: {  	s17 =	sld [smem:$0x3FFB];
	_ =	sdelay $0x3  }
0x92: {  	_ =	strace s17  }
0x93: {  	s2 =	sld [smem:$0x3FFC];
	_ =	sdelay $0x3  }
0x94: {  	_ =	strace s2  }
0x95: {  	s2 =	sld [smem:$0x3FFD];
	_ =	sdelay $0x3  }
0x96: {  	_ =	strace s2  }
0x97: {  	_ =	strace $0x8FFFFFFF  }
0x98: {  	s18 =	sld [smem:$0x3FDB];
	_ =	sdelay $0x1  }
0x99: {  	s19 =	simm.s32 $_scs_section_size  }
0x9a: {  	s4 =	simm.s32 $_size__tile_overlayer_lowered;
	s5 =	simm.s32 $_tile_overlayer_lowered  }
0x9b: {  	s22 =	simm.s32 $0x1BFF;
	s21 =	sshll.u32 s5, $0x1;
	s2 =	sadd.s32 s19, s18  }
0x9c: {  	s6 =	simm.s32 $0x0;
	s20 =	sshll.u32 s4, $0x1;
	s4 =	sadd.s32 s21, s2  }
0x9d: {  	[timem:s6], [sflag:s22] =	dma.local [hbm:s4], s20  }
0x9e: {  	_ =	swait.ge [sflag:s22], s20  }
0x9f: {  	s3 =	ssub.s32 $0x0, s20;
	[sflag:s22] =	ssyncset.done $0x0  }
0xa0: {  	[sflag:s22] =	ssyncadd.s32 s3;
	_ =	sdelay $0x1  }
0xa1: {  	s23 =	simm.s32 $0x1B8B  }
0xa2: {  	_ =	swait.ge [sflag:s23], $0x1  }
0xa3: {  	[sflag:s23] =	ssyncset.done $0x0  }
0xa4: {  	s25 =	simm.s32 $0x1B8E;
	s24 =	sld [smem:$0x3FFE];
	[sflag:s23] =	ssyncadd.s32 $0xFFFFFFFF  }
0xa5: {  	s26 =	simm.s32 $execute0_lowered;
	[smem:$0x3FD2] =	sst s25  }
0xa6: {  	s4 =	sshll.u32 s26, $0x1;
	_ =	strace $0x8000004C;
	[dreg:$0x1] =	wrdreg $0xFFFFFFFF  }
0xa7: {  	s28 =	simm.s32 $_size_execute0_lowered;
	s2 =	sadd.s32 s2, s4;
	[dreg:$0x0] =	wrdreg $0x0  }
0xa8: {  	s4 =	sshll.u32 s28, $0x1;
	[dreg:$0x2] =	wrdreg s2  }
0xa9: {  	[dreg:$0x3] =	wrdreg s4  }
0xaa: {  	[dreg:$0x4] =	wrdreg $0xC0  }
0xab: {  	_ =	task [dreg:s6], $0x5FFFF  }
0xac: {  	[dreg:$0x1] =	wrdreg $0xFFFFFFFF  }
0xad: {  	[dreg:$0x0] =	wrdreg $0x60  }
0xae: {  	[dreg:$0x2] =	wrdreg s24  }
0xaf: {  	[dreg:$0x3] =	wrdreg $0x8D000  }
0xb0: {  	[dreg:$0x4] =	wrdreg $0x9  }
0xb1: {  	_ =	task.clear_ibuf [dreg:s6], $0x5FFFF;
	_ =	strace $0x9000004C  }
0xb2: {  	s29 =	simm.s32 $0x9;
	_ =	strace $0x8000004E  }
0xb3: {  	_ =	swait.ge [sflag:s29], $0x1  }
0xb4: {  	[sflag:s29] =	ssyncadd.s32 $0xFFFFFFFF  }
0xb5: {  	_ =	strace $0x9000004E  }
0xb6: {  	_ =	sfence  }
0xb7: {  	s30 =	sld [smem:$0x0];
	_ =	sdelay $0x2  }
0xb8: {  	s31 =	sshll.u32 s1, $0xD;
	s1 =	sshrl.u32 s1, $0x2  }
0xb9: {  	s3 =	sand.u32 $0x4000, s31;
	s1 =	sadd.s32 s1, s30  }
0xba: {  	s0 =	sor.u32 s3, s0;
	s1 =	sshll.u32 s1, $0x11  }
0xbb: {  	s0 =	sor.u32 s1, s0  }
0xbc: {  	s0 =	sadd.s32 $0x8F2B, s0  }
0xbd: {  	[sflag:s0] =	ssyncadd.remote.s32 $0x1  }
0xbe: {  	_ =	sfence.sel $0xFFFF  }
0xbf: {  	[dreg:$0x0] =	wrdreg $0xFFFFFFFF;
	(pc) =	sbr.abs _section_cstart, $3  }
0xc0: {  	[dreg:$0x1] =	wrdreg $0xFFFFFFFF  }
0xc1: {  	_ =	task.clear_ibuf [dreg:s6], $0x2FFFF;
	_ =	strace $0x9FFFFFFF  }
0xc2: {  	(tm) =	ssettm $0x7FFFFFFF  }
0xc3: {  	_ =	shalt  }
tec
execute0_lowered:
.L_overlay_start_1:
0x0: {  	(tag) =	ssettag $0x1  }
0x1: {  	s0 =	srdreg.scid  }
0x2: {  	s1 =	rddreg [dreg:$0x0];
	s25 =	stileid.u32  }
0x3: {  	s2 =	rddreg [dreg:$0x1];
	s3 =	simm.s32 $0x0;
	s24 =	simm.s32 $0x2  }
0x4: {  	s28 =	simm.s32 $0x100;
	s29 =	simm.s32 $0x1;
	s5 =	smul.u32 $0x2710, s25  }
0x5: {  	s30 =	simm.s32 $0x0;
	s6 =	sand.u32 $0x1, s0;
	s7 =	smul.u32 $0x7D000, s25  }
0x6: {  	[smem:$0x7FF] =	sst s3;
	s26 =	sadd.s32 $0x3E200, s1;
	s17 =	smul.u32 $0x3E8, s25  }
0x7: {  	p0 =	sgt.u32 s25, $0x9;
	s25 =	simm.s32 $0x80;
	s4 =	smul.u32 $0x27100, s6  }
0x8: {  	_ =	strace $0x8000004D;
	[dreg:$0x3] =	wrdreg s26;
	s8 =	ssub.s32 $0x2, s6  }
0x9: {  	s18 =	smul.u32 $0x2710, s6;
	s26 =	simm.s32 $0x50;
	s9 =	sshrl.u32 s8, $0x1  }
0xa: {  	s7 =	sshrl.u32 s7, $0x2;
	s12 =	sadd.s32 $0xC8, s17;
	s14 =	sadd.s32 $0x190, s17  }
0xb: {  	s19 =	sadd.s32 $0x258, s17;
	s4 =	sadd.s32 s5, s4;
	s20 =	ssub.s32 s8, s9  }
0xc: {  	s6 =	sadd.s32 s7, s2;
	s10 =	sadd.s32 s17, s18;
	s13 =	sadd.s32 s18, s12  }
0xd: {  	s12 =	sshll.u32 s12, $0x7;
	s15 =	sadd.s32 s18, s14;
	s14 =	sshll.u32 s14, $0x7  }
0xe: {  	s16 =	sshll.u32 s19, $0x7;
	s19 =	sadd.s32 s18, s19;
	s17 =	sadd.s32 $0x320, s17  }
0xf: {  	s4 =	sshrl.u32 s4, $0x3;
	s7 =	sadd.s32 $0x6400, s6;
	s8 =	sadd.s32 $0xC800, s6  }
0x10: {  	s9 =	sadd.s32 $0x12C00, s6;
	s11 =	sshll.u32 s10, $0x4;
	s10 =	sadd.s32 $0x19000, s6  }
0x11: {  	s13 =	sshll.u32 s13, $0x4;
	s12 =	sadd.s32 s12, s2;
	s15 =	sshll.u32 s15, $0x4  }
0x12: {  	s14 =	sadd.s32 s14, s2;
	s16 =	sadd.s32 s16, s2;
	s19 =	sshll.u32 s19, $0x4  }
0x13: {  	s21 =	sshll.u32 s17, $0x7;
	s23 =	sadd.s32 s18, s17;
	s20 =	smax.u32 s20, $0x1  }
0x14: {  	s22 =	sadd.s32 s4, s1;
	s4 =	sadd.s32 $0x16A00, s1;
	s1 =	sadd.s32 $0x3F000, s1  }
0x15: {  	s18 =	sadd.s32 s21, s2;
	s31 =	sshll.u32 s23, $0x4;
	s11 =	sadd.s32 s1, s11  }
0x16: {  	s13 =	sadd.s32 s1, s13;
	s15 =	sadd.s32 s1, s15;
	s17 =	sadd.s32 s1, s19  }
0x17: {  	s19 =	sadd.s32 s1, s31;
	s21 =	sadd.s32 $0x2C00, s22;
	s22 =	sadd.s32 $0xCA00, s22  }
.LBB2_1:
0x18: {  	s0 =	rddreg [dreg:$0x3];
	s1 =	simm.s32 $0x2900  }
0x19: {  	[tilespmem:s1], [sflag:$0x2] =	stream.linear.gather [hbm4b:s0+s3], $0x6400, $0x38;
	[tilespmem:$0x1C580] =	vst v63  }
0x1a: {  	_ =	swait.ge [sflag:s24], $0x6400  }
0x1b: {  	[sflag:s24] =	ssyncset.done $0x0  }
0x1c: {  	s31 =	simm.s32 @!p0 $0x2;
	s1 =	simm.s32 @!p0 $0x2900;
	[sflag:s24] =	ssyncadd.s32 $0xFFFF9C00  }
0x1d: {  	[spmem:s6] =	stream.linear.scatter @!p0 [tilespmem:s1], [sflag:$0x2], $0x6400, $0x38;
	[tilespmem:$0x1C580] =	vst v63  }
0x1e: {  	_ =	swait.ge @!p0 [sflag:s31], $0x6400  }
0x1f: {  	[sflag:s31] =	ssyncset.done @!p0 $0x0  }
0x20: {  	[sflag:s31] =	ssyncadd.s32 @!p0 $0xFFFF9C00  }
0x21: {  	[spmem:s7] =	stream.linear.scatter @!p0 [tilespmem:s1], [sflag:$0x2], $0x6400, $0x38;
	[tilespmem:$0x1C580] =	vst v63  }
0x22: {  	_ =	swait.ge @!p0 [sflag:s31], $0x6400  }
0x23: {  	[sflag:s31] =	ssyncset.done @!p0 $0x0  }
0x24: {  	[sflag:s31] =	ssyncadd.s32 @!p0 $0xFFFF9C00  }
0x25: {  	[spmem:s8] =	stream.linear.scatter @!p0 [tilespmem:s1], [sflag:$0x2], $0x6400, $0x38;
	[tilespmem:$0x1C580] =	vst v63  }
0x26: {  	_ =	swait.ge @!p0 [sflag:s31], $0x6400  }
0x27: {  	[sflag:s31] =	ssyncset.done @!p0 $0x0  }
0x28: {  	[sflag:s31] =	ssyncadd.s32 @!p0 $0xFFFF9C00  }
0x29: {  	[spmem:s9] =	stream.linear.scatter @!p0 [tilespmem:s1], [sflag:$0x2], $0x6400, $0x38;
	[tilespmem:$0x1C580] =	vst v63  }
0x2a: {  	_ =	swait.ge @!p0 [sflag:s31], $0x6400  }
0x2b: {  	[sflag:s31] =	ssyncset.done @!p0 $0x0  }
0x2c: {  	[sflag:s31] =	ssyncadd.s32 @!p0 $0xFFFF9C00  }
0x2d: {  	[spmem:s10] =	stream.linear.scatter @!p0 [tilespmem:s1], [sflag:$0x2], $0x6400, $0x38;
	[tilespmem:$0x1C580] =	vst v63  }
0x2e: {  	_ =	swait.ge @!p0 [sflag:s31], $0x6400  }
0x2f: {  	[sflag:s31] =	ssyncset.done @!p0 $0x0  }
0x30: {  	[sflag:s31] =	ssyncadd.s32 @!p0 $0xFFFF9C00  }
0x31: {  	s5 =	sadd.s32 $0x0, s22;
	[bflag:$0x0] =	sbarrier.arrive $0xFFFF  }
0x32: {  	[tilespmem:s3], [sflag:$0x2] =	stream.linear.gather [hbm4b:s5+s3], $0x50, $0x38;
	[tilespmem:$0x1C580] =	vst v63  }
0x33: {  	_ =	swait.ge [sflag:s24], $0x50  }
0x34: {  	[sflag:s24] =	ssyncset.done $0x0  }
0x35: {  	s23 =	sadd.s32 $0x0, s21;
	[sflag:s24] =	ssyncadd.s32 $0xFFFFFFB0  }
0x36: {  	[tilespmem:s25], [sflag:$0x2] =	stream.linear.gather [hbm4b:s23+s3], $0x50, $0x38;
	[tilespmem:$0x1C580] =	vst v63  }
0x37: {  	_ =	swait.ge [sflag:s24], $0x50  }
0x38: {  	[sflag:s24] =	ssyncset.done $0x0  }
0x39: {  	[sflag:s24] =	ssyncadd.s32 $0xFFFFFFB0  }
0x3a: {  	[tilespmem:s28], [sflag:$0x1] =	stream.indirect.gather [hbm4b:s4+s26], $0x80, s3, s26, $0xb8;
	[tilespmem:$0x1C580] =	vst v63  }
0x3b: {  	_ =	swait.ge [sflag:s29], $0x2800  }
0x3c: {  	[sflag:s29] =	ssyncset.done $0x0  }
0x3d: {  	[sflag:s29] =	ssyncadd.s32 $0xFFFFD800  }
0x3e: {  	[spmem:s2] =	stream.indirect.scatter.add.f32 [tilespmem:s28], [sflag:$0x2], $0x80, s25, s26, $0xb8;
	[tilespmem:$0x1C580] =	vst v63  }
0x3f: {  	_ =	swait.ge [sflag:s24], $0x2800  }
0x40: {  	s1 =	simm.s32 $0x14;
	s31 =	simm.s32 $0xA;
	[sflag:s24] =	ssyncset.done $0x0  }
.LBB2_2:
0x41: {  	s0 =	sadd.s32 s31, s22  }
0x42: {  	[sflag:s24] =	ssyncadd.s32 $0xFFFFD800;
	s23 =	smov.u32 s1;
	s5 =	sadd.s32 $0xA, s1  }
0x43: {  	[tilespmem:s3], [sflag:$0x2] =	stream.linear.gather [hbm4b:s0+s3], $0x50, $0x38;
	[tilespmem:$0x1C580] =	vst v63  }
0x44: {  	p1 =	sne.s32 s1, $0x4D8;
	_ =	swait.ge [sflag:s24], $0x50  }
0x45: {  	[sflag:s24] =	ssyncset.done $0x0  }
0x46: {  	s0 =	sadd.s32 s31, s21;
	s31 =	smov.u32 s23;
	[sflag:s24] =	ssyncadd.s32 $0xFFFFFFB0  }
0x47: {  	[tilespmem:s25], [sflag:$0x2] =	stream.linear.gather [hbm4b:s0+s3], $0x50, $0x38;
	[tilespmem:$0x1C580] =	vst v63  }
0x48: {  	_ =	swait.ge [sflag:s24], $0x50  }
0x49: {  	[sflag:s24] =	ssyncset.done $0x0  }
0x4a: {  	[sflag:s24] =	ssyncadd.s32 $0xFFFFFFB0  }
0x4b: {  	[tilespmem:s28], [sflag:$0x1] =	stream.indirect.gather [hbm4b:s4+s26], $0x80, s3, s26, $0xb8;
	[tilespmem:$0x1C580] =	vst v63  }
0x4c: {  	_ =	swait.ge [sflag:s29], $0x2800  }
.Ltmp0:
0x4d: {  	[sflag:s29] =	ssyncset.done $0x0;
	(pc) =	sbr.rel @p1 .LBB2_2-.Ltmp0, $4  }
0x4e: {  	[sflag:s29] =	ssyncadd.s32 $0xFFFFD800  }
0x4f: {  	[spmem:s2] =	stream.indirect.scatter.add.f32 [tilespmem:s28], [sflag:$0x2], $0x80, s25, s26, $0xb8;
	[tilespmem:$0x1C580] =	vst v63  }
0x50: {  	_ =	swait.ge [sflag:s24], $0x2800  }
0x51: {  	s1 =	smov.u32 s5;
	[sflag:s24] =	ssyncset.done $0x0  }
0x52: {  	s0 =	sadd.s32 s31, s22;
	[sflag:s24] =	ssyncadd.s32 $0xFFFFD800  }
0x53: {  	[tilespmem:s3], [sflag:$0x2] =	stream.linear.gather [hbm4b:s0+s3], $0x50, $0x38;
	[tilespmem:$0x1C580] =	vst v63  }
0x54: {  	_ =	swait.ge [sflag:s24], $0x50  }
0x55: {  	[sflag:s24] =	ssyncset.done $0x0  }
0x56: {  	s31 =	sadd.s32 s31, s21;
	[sflag:s24] =	ssyncadd.s32 $0xFFFFFFB0  }
0x57: {  	[tilespmem:s25], [sflag:$0x2] =	stream.linear.gather [hbm4b:s31+s3], $0x50, $0x38;
	[tilespmem:$0x1C580] =	vst v63  }
0x58: {  	_ =	swait.ge [sflag:s24], $0x50  }
0x59: {  	[sflag:s24] =	ssyncset.done $0x0  }
0x5a: {  	[sflag:s24] =	ssyncadd.s32 $0xFFFFFFB0  }
0x5b: {  	[tilespmem:s28], [sflag:$0x1] =	stream.indirect.gather [hbm4b:s4+s26], $0x80, s3, s26, $0xb8;
	[tilespmem:$0x1C580] =	vst v63  }
0x5c: {  	_ =	swait.ge [sflag:s29], $0x2800  }
0x5d: {  	[sflag:s29] =	ssyncset.done $0x0  }
0x5e: {  	[sflag:s29] =	ssyncadd.s32 $0xFFFFD800  }
0x5f: {  	[spmem:s2] =	stream.indirect.scatter.add.f32 [tilespmem:s28], [sflag:$0x2], $0x80, s25, s26, $0xb8;
	[tilespmem:$0x1C580] =	vst v63  }
0x60: {  	_ =	swait.ge [sflag:s24], $0x2800  }
0x61: {  	[sflag:s24] =	ssyncset.done $0x0  }
0x62: {  	[sflag:s24] =	ssyncadd.s32 $0xFFFFD800  }
0x63: {  	s1 =	simm.s32 @!p0 $0x2;
	s0 =	simm.s32 @!p0 $0x2900;
	[bflag:$0x0] =	sbarrier.arrive $0xFFFF  }
0x64: {  	[tilespmem:s0], [sflag:$0x2] =	stream.linear.gather @!p0 [spmem:s6], $0x6400, $0x38;
	[tilespmem:$0x1C580] =	vst v63  }
0x65: {  	_ =	swait.ge @!p0 [sflag:s1], $0x6400  }
0x66: {  	[sflag:s1] =	ssyncset.done @!p0 $0x0  }
0x67: {  	s5 =	simm.s32 @!p0 $0x0;
	[sflag:s1] =	ssyncadd.s32 @!p0 $0xFFFF9C00  }
0x68: {  	[hbm4b:s11+s5] =	stream.linear.scatter @!p0 [tilespmem:s0], [sflag:$0x2], $0x6400, $0x38;
	[tilespmem:$0x1C580] =	vst v63  }
0x69: {  	_ =	swait.ge @!p0 [sflag:s1], $0x6400  }
0x6a: {  	[sflag:s1] =	ssyncset.done @!p0 $0x0  }
0x6b: {  	[sflag:s1] =	ssyncadd.s32 @!p0 $0xFFFF9C00  }
0x6c: {  	[tilespmem:s0], [sflag:$0x2] =	stream.linear.gather @!p0 [spmem:s12], $0x6400, $0x38;
	[tilespmem:$0x1C580] =	vst v63  }
0x6d: {  	_ =	swait.ge @!p0 [sflag:s1], $0x6400  }
0x6e: {  	[sflag:s1] =	ssyncset.done @!p0 $0x0  }
0x6f: {  	[sflag:s1] =	ssyncadd.s32 @!p0 $0xFFFF9C00  }
0x70: {  	[hbm4b:s13+s5] =	stream.linear.scatter @!p0 [tilespmem:s0], [sflag:$0x2], $0x6400, $0x38;
	[tilespmem:$0x1C580] =	vst v63  }
0x71: {  	_ =	swait.ge @!p0 [sflag:s1], $0x6400  }
0x72: {  	[sflag:s1] =	ssyncset.done @!p0 $0x0  }
0x73: {  	[sflag:s1] =	ssyncadd.s32 @!p0 $0xFFFF9C00  }
0x74: {  	[tilespmem:s0], [sflag:$0x2] =	stream.linear.gather @!p0 [spmem:s14], $0x6400, $0x38;
	[tilespmem:$0x1C580] =	vst v63  }
0x75: {  	_ =	swait.ge @!p0 [sflag:s1], $0x6400  }
0x76: {  	[sflag:s1] =	ssyncset.done @!p0 $0x0  }
0x77: {  	[sflag:s1] =	ssyncadd.s32 @!p0 $0xFFFF9C00  }
0x78: {  	[hbm4b:s15+s5] =	stream.linear.scatter @!p0 [tilespmem:s0], [sflag:$0x2], $0x6400, $0x38;
	[tilespmem:$0x1C580] =	vst v63  }
0x79: {  	_ =	swait.ge @!p0 [sflag:s1], $0x6400  }
0x7a: {  	[sflag:s1] =	ssyncset.done @!p0 $0x0  }
0x7b: {  	[sflag:s1] =	ssyncadd.s32 @!p0 $0xFFFF9C00  }
0x7c: {  	[tilespmem:s0], [sflag:$0x2] =	stream.linear.gather @!p0 [spmem:s16], $0x6400, $0x38;
	[tilespmem:$0x1C580] =	vst v63  }
0x7d: {  	_ =	swait.ge @!p0 [sflag:s1], $0x6400  }
0x7e: {  	[sflag:s1] =	ssyncset.done @!p0 $0x0  }
0x7f: {  	[sflag:s1] =	ssyncadd.s32 @!p0 $0xFFFF9C00  }
0x80: {  	[hbm4b:s17+s5] =	stream.linear.scatter @!p0 [tilespmem:s0], [sflag:$0x2], $0x6400, $0x38;
	[tilespmem:$0x1C580] =	vst v63  }
0x81: {  	_ =	swait.ge @!p0 [sflag:s1], $0x6400  }
0x82: {  	[sflag:s1] =	ssyncset.done @!p0 $0x0  }
0x83: {  	[sflag:s1] =	ssyncadd.s32 @!p0 $0xFFFF9C00  }
0x84: {  	[tilespmem:s0], [sflag:$0x2] =	stream.linear.gather @!p0 [spmem:s18], $0x6400, $0x38;
	[tilespmem:$0x1C580] =	vst v63  }
0x85: {  	s30 =	sadd.s32 $0x1, s30;
	_ =	swait.ge @!p0 [sflag:s1], $0x6400  }
0x86: {  	p1 =	sne.s32 s30, s20;
	[sflag:s1] =	ssyncset.done @!p0 $0x0  }
.Ltmp1:
0x87: {  	[sflag:s1] =	ssyncadd.s32 @!p0 $0xFFFF9C00;
	(pc) =	sbr.rel @p1 .LBB2_1-.Ltmp1, $4  }
0x88: {  	[hbm4b:s19+s5] =	stream.linear.scatter @!p0 [tilespmem:s0], [sflag:$0x2], $0x6400, $0x38;
	[tilespmem:$0x1C580] =	vst v63  }
0x89: {  	_ =	swait.ge @!p0 [sflag:s1], $0x6400  }
0x8a: {  	[sflag:s1] =	ssyncset.done @!p0 $0x0  }
0x8b: {  	[sflag:s1] =	ssyncadd.s32 @!p0 $0xFFFF9C00  }
0x8c: {  	_ =	sfence.sel $0x180000  }
0x8d: {  	[bflag:$0x0] =	sbarrier.arrive $0xFFFF  }
0x8e: {  	_ =	strace $0x9000004D  }
0x8f: {  	s0 =	stileid.u32;
	[bflag:$0x2] =	sbarrier.arrive $0xFFFF  }
0x90: {  	p0 =	sne.s32 s0, $0x0;
	s0 =	rddreg [dreg:$0x2]  }
0x91: {  	s0 =	sadd.s32 @!p0 $0x100000, s0  }
0x92: {  	[sflag:s0] =	ssyncadd.tile.s32 @!p0 $0x1;
	_ =	shalt  }
.Lfunc_end2:
_tile_overlayer_lowered:
.L_overlay_start_2:
0x93: {  	(tag) =	ssettag $0x2  }
0x94: {  	s0 =	rddreg [dreg:$0x0];
	s2 =	stileid.u32  }
0x95: {  	s1 =	rddreg [dreg:$0x1];
	p0 =	sne.s32 s2, $0x0  }
0x96: {  	s3 =	rddreg [dreg:$0x2];
	[bflag:$0x3] =	sbarrier.arrive $0xFFFF;
	s2 =	simm.s32 @!p0 $0x1C02  }
0x97: {  	[timem:s3], [sflag:s2] =	dma.local @!p0 [hbm:s0], s1  }
0x98: {  	s0 =	simm.s32 @!p0 $0x2  }
0x99: {  	_ =	swait.ge @!p0 [sflag:s0], s1  }
0x9a: {  	s1 =	ssub.s32 @!p0 $0x0, s1;
	[sflag:s0] =	ssyncset.done @!p0 $0x0  }
0x9b: {  	[sflag:s0] =	ssyncadd.s32 @!p0 s1  }
0x9c: {  	[bflag:$0x3] =	sbarrier.arrive $0xFFFF  }
0x9d: {  	_ =	shalt  }

// kernel: kernel.8.cloned.1.call-start
scs
__scs_entry_jumppad:
0x0: {  	(pc) =	sbr.rel $0x88, $3  }
0x1: {  	(tag) =	ssettag $0x0;
	lr =	simm.s32 $0x1  }
0x2: {  	[smem:$0x3F95] =	sst lr;
	_ =	strace $0xD0000000  }
0x3: {  	_ = 	snop  }
0x4: {  	_ = 	snop  }
0x5: {  	_ = 	snop  }
0x6: {  	_ = 	snop  }
0x7: {  	_ = 	snop  }
__scs_overlays_trampoline_lowered:
0x8: {  	[smem:$0x3FA4] =	sst s0  }
0x9: {  	[smem:$0x3FA5] =	sst s1  }
0xa: {  	[smem:$0x3FA6] =	sst s2  }
0xb: {  	[smem:$0x3FA7] =	sst s3  }
0xc: {  	[smem:$0x3FA8] =	sst s4  }
0xd: {  	[smem:$0x3FA9] =	sst s5  }
0xe: {  	[smem:$0x3FAA] =	sst s6  }
0xf: {  	[smem:$0x3FAB] =	sst s7  }
0x10: {  	[smem:$0x3FAC] =	sst s8  }
0x11: {  	[smem:$0x3FAD] =	sst s9;
	s0 =	simm.s32 @!p0 $0x0  }
0x12: {  	s1 =	sld [smem:$0x3F93];
	s0 =	simm.s32 @p0 $0x1  }
0x13: {  	[smem:$0x3FAE] =	sst s0;
	s0 =	simm.s32 @!p1 $0x0  }
0x14: {  	s2 =	sld [smem:$0x3F92];
	s0 =	simm.s32 @p1 $0x1  }
0x15: {  	[smem:$0x3FAF] =	sst s0;
	s0 =	simm.s32 @!p2 $0x0  }
0x16: {  	s3 =	sld [smem:$0x3FDB];
	s0 =	simm.s32 @p2 $0x1  }
0x17: {  	s4 =	simm.s32 $0x1BF5;
	[smem:$0x3FB1] =	sst s0  }
0x18: {  	s0 =	sld [smem:$0x3F94];
	_ =	swait.ge [sflag:s4], $0x0  }
0x19: {  	s7 =	sld [smem:$0x3F95]  }
0x1a: {  	s8 =	sadd.s32 $0xFFFFE003, lr  }
0x1b: {  	s9 =	sadd.s32 $0xFFFFFEF7, lr;
	s5 =	simm.s32 $0xFFFFFFFF;
	p2 =	slt.u32 s8, $0xFFFFF086  }
0x1c: {  	p1 =	slt.u32 s9, $0xF7A;
	s5 =	simm.s32 @!p2 $0x0  }
0x1d: {  	s5 =	simm.s32 @p1 $0x1;
	p0 =	seq.s32 s7, s2  }
0x1e: {  	s7 =	smul.u32 @!p0 $0xF7A, s2;
	p2 =	seq.s32 @!p0 s5, $0x0  }
0x1f: {  	s9 =	smul.u32 $0xF7A, s1;
	s8 =	simm.s32 @!p0 $0x1BF5;
	p2 =	por !p2, p0  }
0x20: {  	[sflag:s8] =	ssyncset.s32 @!p0 $0xFFFFF086;
	s6 =	sadd.s32 @!p0 s3, s7;
	s7 =	simm.s32 @!p0 $0x108  }
0x21: {  	s3 =	sadd.s32 s3, s9;
	s6 =	sadd.s32 @!p0 $0x88, s6;
	s7 =	simm.s32 @p2 $0x1082  }
0x22: {  	[simem:s7], [sflag:s8] =	dma.local @!p0 [hbm:s6], $0xF7A  }
0x23: {  	s9 =	sor.u32 $0xD0000000, s2;
	s6 =	simm.s32 $0x108;
	_ =	swait.ge @!p0 [sflag:s8], $0x0  }
0x24: {  	s3 =	sadd.s32 $0x88, s3;
	s6 =	simm.s32 @!p1 $0x1082;
	[sflag:s4] =	ssyncset.s32 $0xFFFFF086  }
0x25: {  	[simem:s6], [sflag:s4] =	dma.local [hbm:s3], $0xF7A  }
0x26: {  	[smem:$0x3F95] =	sst s1;
	(tag) =	ssettag s2;
	_ =	strace s9  }
0x27: {  	s1 =	sld [smem:$0x3FA5]  }
0x28: {  	s2 =	sld [smem:$0x3FA6]  }
0x29: {  	s4 =	sld [smem:$0x3FA8]  }
0x2a: {  	p0 =	seq.s32 s5, $0x0;
	s5 =	sld [smem:$0x3FA9]  }
0x2b: {  	s6 =	sld [smem:$0x3FAA]  }
0x2c: {  	s7 =	sld [smem:$0x3FAB]  }
0x2d: {  	s3 =	simm.s32 $0x108;
	s8 =	sld [smem:$0x3FAC]  }
0x2e: {  	s3 =	simm.s32 @!p0 $0x1082;
	s9 =	sld [smem:$0x3FAD]  }
0x2f: {  	lr =	sadd.s32 s0, s3;
	s0 =	sld [smem:$0x3FA4]  }
0x30: {  	s3 =	sld [smem:$0x3FA7]  }
0x31: {  	[smem:$0x3FB0] =	sst s10  }
0x32: {  	s10 =	sld [smem:$0x3FAE];
	_ =	sdelay $0x3  }
0x33: {  	p0 =	seq.s32 s10, $0x1;
	s10 =	sld [smem:$0x3FB0];
	_ =	sdelay $0x3  }
0x34: {  	[smem:$0x3FB0] =	sst s10  }
0x35: {  	s10 =	sld [smem:$0x3FAF];
	_ =	sdelay $0x3  }
0x36: {  	p1 =	seq.s32 s10, $0x1;
	s10 =	sld [smem:$0x3FB0];
	_ =	sdelay $0x3  }
0x37: {  	[smem:$0x3FB0] =	sst s10  }
0x38: {  	s10 =	sld [smem:$0x3FB1]  }
0x39: {  	_ = 	snop;
	(pc) =	sbr.ind lr, $3  }
0x3a: {  	_ = 	snop  }
0x3b: {  	_ = 	snop  }
0x3c: {  	p2 =	seq.s32 s10, $0x1;
	s10 =	sld [smem:$0x3FB0]  }
0x3d: {  	_ =	shalt  }
0x3e: {  	_ =	shalt  }
0x3f: {  	_ =	shalt  }
0x40: {  	_ =	shalt  }
0x41: {  	_ =	shalt  }
0x42: {  	_ =	shalt  }
0x43: {  	_ =	shalt  }
0x44: {  	_ =	shalt  }
0x45: {  	_ =	shalt  }
0x46: {  	_ =	shalt  }
0x47: {  	_ =	shalt  }
0x48: {  	_ =	shalt  }
0x49: {  	_ =	shalt  }
0x4a: {  	_ =	shalt  }
0x4b: {  	_ =	shalt  }
0x4c: {  	_ =	shalt  }
0x4d: {  	_ =	shalt  }
0x4e: {  	_ =	shalt  }
0x4f: {  	_ =	shalt  }
0x50: {  	_ =	shalt  }
0x51: {  	_ =	shalt  }
0x52: {  	_ =	shalt  }
0x53: {  	_ =	shalt  }
0x54: {  	_ =	shalt  }
0x55: {  	_ =	shalt  }
0x56: {  	_ =	shalt  }
0x57: {  	_ =	shalt  }
0x58: {  	_ =	shalt  }
0x59: {  	_ =	shalt  }
0x5a: {  	_ =	shalt  }
0x5b: {  	_ =	shalt  }
0x5c: {  	_ =	shalt  }
0x5d: {  	_ =	shalt  }
0x5e: {  	_ =	shalt  }
0x5f: {  	_ =	shalt  }
0x60: {  	_ =	shalt  }
0x61: {  	_ =	shalt  }
0x62: {  	_ =	shalt  }
0x63: {  	_ =	shalt  }
0x64: {  	_ =	shalt  }
0x65: {  	_ =	shalt  }
0x66: {  	_ =	shalt  }
0x67: {  	_ =	shalt  }
0x68: {  	_ =	shalt  }
0x69: {  	_ =	shalt  }
0x6a: {  	_ =	shalt  }
0x6b: {  	_ =	shalt  }
0x6c: {  	_ =	shalt  }
0x6d: {  	_ =	shalt  }
0x6e: {  	_ =	shalt  }
0x6f: {  	_ =	shalt  }
0x70: {  	_ =	shalt  }
0x71: {  	_ =	shalt  }
0x72: {  	_ =	shalt  }
0x73: {  	_ =	shalt  }
0x74: {  	_ =	shalt  }
0x75: {  	_ =	shalt  }
0x76: {  	_ =	shalt  }
0x77: {  	_ =	shalt  }
0x78: {  	_ =	shalt  }
0x79: {  	_ =	shalt  }
0x7a: {  	_ =	shalt  }
0x7b: {  	_ =	shalt  }
0x7c: {  	_ =	shalt  }
0x7d: {  	_ =	shalt  }
0x7e: {  	_ =	shalt  }
0x7f: {  	_ =	shalt  }
0x80: {  	_ =	shalt  }
0x81: {  	_ =	shalt  }
0x82: {  	_ =	shalt  }
0x83: {  	_ =	shalt  }
0x84: {  	_ =	shalt  }
0x85: {  	_ =	shalt  }
0x86: {  	_ =	shalt  }
0x87: {  	_ =	shalt  }
.Lfunc_end0:
.L_simem_size_0:
called_computation_lowered:
.L_overlay_start_0:
0x88: {  	s2 =	sld [smem:$0x3FD9]  }
0x89: {  	s3 =	sld [smem:$0x3FFE];
	_ =	sdelay $0x1  }
0x8a: {  	s1 =	srdreg.scid  }
0x8b: {  	s0 =	sand.u32 $0x1, s1  }
0x8c: {  	s16 =	sshll.u32 s0, $0xA;
	s2 =	sadd.s32 s3, s2  }
0x8d: {  	s2 =	sadd.s32 s2, s16  }
0x8e: {  	[smem:$0x3FBC] =	sst s2  }
0x8f: {  	_ = 	snop  }
0x90: {  	(tm) =	ssettm $0x1  }
0x91: {  	s17 =	sld [smem:$0x3FFB];
	_ =	sdelay $0x3  }
0x92: {  	_ =	strace s17  }
0x93: {  	s2 =	sld [smem:$0x3FFC];
	_ =	sdelay $0x3  }
0x94: {  	_ =	strace s2  }
0x95: {  	s2 =	sld [smem:$0x3FFD];
	_ =	sdelay $0x3  }
0x96: {  	_ =	strace s2  }
0x97: {  	_ =	strace $0x8FFFFFFF  }
0x98: {  	s18 =	sld [smem:$0x3FDB];
	_ =	sdelay $0x1  }
0x99: {  	s19 =	simm.s32 $_scs_section_size  }
0x9a: {  	s4 =	simm.s32 $_size__tile_overlayer_lowered;
	s5 =	simm.s32 $_tile_overlayer_lowered  }
0x9b: {  	s22 =	simm.s32 $0x1BFF;
	s21 =	sshll.u32 s5, $0x1;
	s2 =	sadd.s32 s19, s18  }
0x9c: {  	s6 =	simm.s32 $0x0;
	s20 =	sshll.u32 s4, $0x1;
	s4 =	sadd.s32 s21, s2  }
0x9d: {  	[timem:s6], [sflag:s22] =	dma.local [hbm:s4], s20  }
0x9e: {  	_ =	swait.ge [sflag:s22], s20  }
0x9f: {  	s3 =	ssub.s32 $0x0, s20;
	[sflag:s22] =	ssyncset.done $0x0  }
0xa0: {  	[sflag:s22] =	ssyncadd.s32 s3;
	_ =	sdelay $0x1  }
0xa1: {  	s23 =	simm.s32 $0x1B8B  }
0xa2: {  	_ =	swait.ge [sflag:s23], $0x1  }
0xa3: {  	[sflag:s23] =	ssyncset.done $0x0  }
0xa4: {  	s25 =	simm.s32 $0x1B8E;
	s24 =	sld [smem:$0x3FFE];
	[sflag:s23] =	ssyncadd.s32 $0xFFFFFFFF  }
0xa5: {  	s26 =	simm.s32 $execute0_lowered;
	[smem:$0x3FD2] =	sst s25  }
0xa6: {  	s4 =	sshll.u32 s26, $0x1;
	_ =	strace $0x80000046;
	[dreg:$0x1] =	wrdreg $0xFFFFFFFF  }
0xa7: {  	s28 =	simm.s32 $_size_execute0_lowered;
	s2 =	sadd.s32 s2, s4;
	[dreg:$0x0] =	wrdreg $0x0  }
0xa8: {  	s4 =	sshll.u32 s28, $0x1;
	[dreg:$0x2] =	wrdreg s2  }
0xa9: {  	[dreg:$0x3] =	wrdreg s4  }
0xaa: {  	[dreg:$0x4] =	wrdreg $0xC0  }
0xab: {  	_ =	task [dreg:s6], $0x5FFFF  }
0xac: {  	[dreg:$0x1] =	wrdreg $0xFFFFFFFF  }
0xad: {  	[dreg:$0x0] =	wrdreg $0x60  }
0xae: {  	[dreg:$0x2] =	wrdreg s24  }
0xaf: {  	[dreg:$0x3] =	wrdreg $0x5000  }
0xb0: {  	[dreg:$0x4] =	wrdreg $0x9  }
0xb1: {  	_ =	task.clear_ibuf [dreg:s6], $0x5FFFF;
	_ =	strace $0x90000046  }
0xb2: {  	s29 =	simm.s32 $0x9;
	_ =	strace $0x80000048  }
0xb3: {  	_ =	swait.ge [sflag:s29], $0x1  }
0xb4: {  	[sflag:s29] =	ssyncadd.s32 $0xFFFFFFFF  }
0xb5: {  	_ =	strace $0x90000048  }
0xb6: {  	_ =	sfence  }
0xb7: {  	s30 =	sld [smem:$0x0];
	_ =	sdelay $0x2  }
0xb8: {  	s31 =	sshll.u32 s1, $0xD;
	s1 =	sshrl.u32 s1, $0x2  }
0xb9: {  	s3 =	sand.u32 $0x4000, s31;
	s1 =	sadd.s32 s1, s30  }
0xba: {  	s0 =	sor.u32 s3, s0;
	s1 =	sshll.u32 s1, $0x11  }
0xbb: {  	s0 =	sor.u32 s1, s0  }
0xbc: {  	s0 =	sadd.s32 $0x8F2B, s0  }
0xbd: {  	[sflag:s0] =	ssyncadd.remote.s32 $0x1  }
0xbe: {  	_ =	sfence.sel $0xFFFF  }
0xbf: {  	[dreg:$0x0] =	wrdreg $0xFFFFFFFF;
	(pc) =	sbr.abs _section_cstart, $3  }
0xc0: {  	[dreg:$0x1] =	wrdreg $0xFFFFFFFF  }
0xc1: {  	_ =	task.clear_ibuf [dreg:s6], $0x2FFFF;
	_ =	strace $0x9FFFFFFF  }
0xc2: {  	(tm) =	ssettm $0x7FFFFFFF  }
0xc3: {  	_ =	shalt  }
tec
execute0_lowered:
.L_overlay_start_1:
0x0: {  	(tag) =	ssettag $0x1  }
0x1: {  	s0 =	srdreg.scid;
	s5 =	rddreg [dreg:$0x0]  }
0x2: {  	s2 =	rddreg [dreg:$0x1];
	s6 =	sand.u32 $0x1, s0  }
0x3: {  	s0 =	stileid.u32;
	s4 =	smul.u32 $0x27100, s6  }
0x4: {  	s1 =	rddreg [dreg:$0x2];
	s7 =	smul.u32 $0x2710, s0  }
0x5: {  	s3 =	simm.s32 $0x0;
	s12 =	simm.s32 $0x80;
	s31 =	smul.u32 $0x3E8, s0  }
0x6: {  	s13 =	simm.s32 $0x0;
	[smem:$0x7FF] =	sst s3;
	s8 =	smul.u32 $0x2710, s6  }
0x7: {  	_ =	strace $0x80000047;
	s10 =	smul.u32 $0xFA0, s0;
	s6 =	ssub.s32 $0x2, s6  }
0x8: {  	p0 =	sgt.u32 s0, $0x9;
	s11 =	sshrl.u32 s6, $0x1;
	s4 =	sadd.s32 s7, s4  }
0x9: {  	s8 =	sadd.s32 s31, s8;
	s10 =	sshrl.u32 s10, $0x2;
	s11 =	ssub.s32 s6, s11  }
0xa: {  	s6 =	sadd.s32 s31, s2;
	s4 =	sshrl.u32 s4, $0x3;
	s8 =	sshrl.u32 s8, $0x3  }
0xb: {  	s9 =	sadd.s32 s4, s5;
	s4 =	sadd.s32 $0x16800, s5;
	s8 =	sadd.s32 s8, s5  }
0xc: {  	s5 =	sadd.s32 s10, s2;
	s10 =	simm.s32 $0x1;
	s7 =	sadd.s32 $0x16A00, s8  }
0xd: {  	v0 =	vimm.f32 $1.000000000e+00;
	s8 =	smax.u32 s11, $0x1;
	s9 =	sadd.s32 $0x2C00, s9;
	s11 =	simm.s32 $0x50  }
.LBB2_1:
0xe: {  	[tilespmem:$0x80] =	vst v0  }
0xf: {  	[tilespmem:$0x90] =	vst v0  }
0x10: {  	[tilespmem:$0xA0] =	vst v0  }
0x11: {  	[tilespmem:$0xB0] =	vst v0  }
0x12: {  	[tilespmem:$0xC0] =	vst v0;
	s14 =	simm.s32 @!p0 $0x0;
	s15 =	simm.s32 @!p0 $0x100  }
0x13: {  	[tilespmem:s15], [sflag:$0x1] =	stream.linear.gather @!p0 [hbm4b:s4+s14], $0x400, $0x38;
	[tilespmem:$0x778] =	vst v63  }
0x14: {  	s14 =	simm.s32 @!p0 $0x1  }
0x15: {  	_ =	swait.ge @!p0 [sflag:s14], $0x400  }
0x16: {  	[sflag:s14] =	ssyncset.done @!p0 $0x0  }
0x17: {  	[sflag:s14] =	ssyncadd.s32 @!p0 $0xFFFFFC00  }
0x18: {  	[spmem:s5] =	stream.linear.scatter @!p0 [tilespmem:s15], [sflag:$0x1], $0x3E8, $0x38;
	[tilespmem:$0x778] =	vst v63  }
0x19: {  	_ =	swait.ge @!p0 [sflag:s14], $0x3E8  }
0x1a: {  	[sflag:s14] =	ssyncset.done @!p0 $0x0  }
0x1b: {  	[sflag:s14] =	ssyncadd.s32 @!p0 $0xFFFFFC18  }
0x1c: {  	s31 =	sadd.s32 $0x0, s9;
	[bflag:$0x0] =	sbarrier.arrive $0xFFFF  }
0x1d: {  	[tilespmem:s3], [sflag:$0x1] =	stream.linear.gather [hbm4b:s31+s3], $0x50, $0x38;
	[tilespmem:$0x778] =	vst v63  }
0x1e: {  	_ =	swait.ge [sflag:s10], $0x50  }
0x1f: {  	[sflag:s10] =	ssyncset.done $0x0  }
0x20: {  	[sflag:s10] =	ssyncadd.s32 $0xFFFFFFB0  }
0x21: {  	[spmem:s2] =	stream.indirect.scatter.add.f32 [tilespmem:s12], [sflag:$0x1], $0x1, s3, s11, $0xb8;
	[tilespmem:$0x778] =	vst v63  }
0x22: {  	_ =	swait.ge [sflag:s10], $0x50  }
0x23: {  	s15 =	simm.s32 $0x14;
	s14 =	simm.s32 $0xA;
	[sflag:s10] =	ssyncset.done $0x0  }
.LBB2_2:
0x24: {  	s16 =	sadd.s32 s14, s9  }
0x25: {  	[sflag:s10] =	ssyncadd.s32 $0xFFFFFFB0;
	s14 =	smov.u32 s15;
	s17 =	sadd.s32 $0xA, s15  }
0x26: {  	[tilespmem:s3], [sflag:$0x1] =	stream.linear.gather [hbm4b:s16+s3], $0x50, $0x38;
	[tilespmem:$0x778] =	vst v63  }
0x27: {  	p1 =	sne.s32 s15, $0x4D8;
	_ =	swait.ge [sflag:s10], $0x50  }
.Ltmp0:
0x28: {  	[sflag:s10] =	ssyncset.done $0x0;
	(pc) =	sbr.rel @p1 .LBB2_2-.Ltmp0, $4  }
0x29: {  	[sflag:s10] =	ssyncadd.s32 $0xFFFFFFB0  }
0x2a: {  	[spmem:s2] =	stream.indirect.scatter.add.f32 [tilespmem:s12], [sflag:$0x1], $0x1, s3, s11, $0xb8;
	[tilespmem:$0x778] =	vst v63  }
0x2b: {  	_ =	swait.ge [sflag:s10], $0x50  }
0x2c: {  	s15 =	smov.u32 s17;
	[sflag:s10] =	ssyncset.done $0x0  }
0x2d: {  	s14 =	sadd.s32 s14, s9;
	[sflag:s10] =	ssyncadd.s32 $0xFFFFFFB0  }
0x2e: {  	[tilespmem:s3], [sflag:$0x1] =	stream.linear.gather [hbm4b:s14+s3], $0x50, $0x38;
	[tilespmem:$0x778] =	vst v63  }
0x2f: {  	_ =	swait.ge [sflag:s10], $0x50  }
0x30: {  	[sflag:s10] =	ssyncset.done $0x0  }
0x31: {  	[sflag:s10] =	ssyncadd.s32 $0xFFFFFFB0  }
0x32: {  	[spmem:s2] =	stream.indirect.scatter.add.f32 [tilespmem:s12], [sflag:$0x1], $0x1, s3, s11, $0xb8;
	[tilespmem:$0x778] =	vst v63  }
0x33: {  	_ =	swait.ge [sflag:s10], $0x50  }
0x34: {  	[sflag:s10] =	ssyncset.done $0x0  }
0x35: {  	[sflag:s10] =	ssyncadd.s32 $0xFFFFFFB0  }
0x36: {  	s15 =	simm.s32 @!p0 $0x1;
	s14 =	simm.s32 @!p0 $0x100;
	[bflag:$0x0] =	sbarrier.arrive $0xFFFF  }
0x37: {  	[tilespmem:s14], [sflag:$0x1] =	stream.linear.gather @!p0 [spmem:s6], $0x3E8, $0x38;
	[tilespmem:$0x778] =	vst v63  }
0x38: {  	s13 =	sadd.s32 $0x1, s13;
	_ =	swait.ge @!p0 [sflag:s15], $0x3E8  }
0x39: {  	p1 =	sne.s32 s13, s8;
	[sflag:s15] =	ssyncset.done @!p0 $0x0  }
.Ltmp1:
0x3a: {  	s16 =	simm.s32 @!p0 $0x0;
	[sflag:s15] =	ssyncadd.s32 @!p0 $0xFFFFFC18;
	(pc) =	sbr.rel @p1 .LBB2_1-.Ltmp1, $4  }
0x3b: {  	[hbm4b:s7+s16] =	stream.linear.scatter @!p0 [tilespmem:s14], [sflag:$0x1], $0x3E8, $0x38;
	[tilespmem:$0x778] =	vst v63  }
0x3c: {  	_ =	swait.ge @!p0 [sflag:s15], $0x3E8  }
0x3d: {  	[sflag:s15] =	ssyncset.done @!p0 $0x0  }
0x3e: {  	[sflag:s15] =	ssyncadd.s32 @!p0 $0xFFFFFC18  }
0x3f: {  	_ =	sfence.sel $0x180000  }
0x40: {  	[bflag:$0x0] =	sbarrier.arrive $0xFFFF  }
0x41: {  	p0 =	sne.s32 s0, $0x0;
	_ =	strace $0x90000047  }
0x42: {  	s0 =	sadd.s32 @!p0 $0x100000, s1;
	[bflag:$0x2] =	sbarrier.arrive $0xFFFF  }
0x43: {  	[sflag:s0] =	ssyncadd.tile.s32 @!p0 $0x1;
	_ =	shalt  }
.Lfunc_end2:
_tile_overlayer_lowered:
.L_overlay_start_2:
0x44: {  	(tag) =	ssettag $0x2  }
0x45: {  	s0 =	rddreg [dreg:$0x0];
	s2 =	stileid.u32  }
0x46: {  	s1 =	rddreg [dreg:$0x1];
	p0 =	sne.s32 s2, $0x0  }
0x47: {  	s3 =	rddreg [dreg:$0x2];
	[bflag:$0x3] =	sbarrier.arrive $0xFFFF;
	s2 =	simm.s32 @!p0 $0x1C01  }
0x48: {  	[timem:s3], [sflag:s2] =	dma.local @!p0 [hbm:s0], s1  }
0x49: {  	s0 =	simm.s32 @!p0 $0x1  }
0x4a: {  	_ =	swait.ge @!p0 [sflag:s0], s1  }
0x4b: {  	s1 =	ssub.s32 @!p0 $0x0, s1;
	[sflag:s0] =	ssyncset.done @!p0 $0x0  }
0x4c: {  	[sflag:s0] =	ssyncadd.s32 @!p0 s1  }
0x4d: {  	[bflag:$0x3] =	sbarrier.arrive $0xFFFF  }
0x4e: {  	_ =	shalt  }

</sc_bundles>
